<compile_context>
chip_gen: v7x
topology: tpu7x:2x2x1
jax: 0.10.2.dev20260603
libtpu: 0.0.44.dev20260713+nightly
codegen_flags: <defaults>
</compile_context>

<pallas_src>
import functools

import jax
import jax.numpy as jnp
from jax import lax
from jax.experimental import pallas as pl
from jax.experimental.pallas import tpu as pltpu
from jax.experimental.pallas import tpu_sc as plsc

D = 64
GROUP = 128
CG = 4
NB = 3
NC, NS = 2, 16
NW = NC * NS


@functools.lru_cache(maxsize=None)
def _build(B):
    assert B % (GROUP * NW) == 0
    n_groups = B // GROUP
    g_per_w = n_groups // NW
    assert g_per_w % CG == 0
    n_chunks = g_per_w // CG
    rows_per_chunk = CG * GROUP

    mesh = plsc.VectorSubcoreMesh(core_axis_name="c", subcore_axis_name="s")

    @functools.partial(
        pl.kernel,
        out_type=jax.ShapeDtypeStruct((B, D), jnp.float32),
        mesh=mesh,
        compiler_params=pltpu.CompilerParams(use_tc_tiling_on_sc=False),
        scratch_types=[
            pltpu.VMEM((g_per_w, GROUP), jnp.int32),
            pltpu.VMEM((NB, rows_per_chunk, D), jnp.float32),
        ]
        + [pltpu.SemaphoreType.DMA] * (2 * NB),
    )
    def emb_kernel(idx_hbm, table_hbm, out_hbm, idx_v, rows_v, *sems):
        gsems = sems[:NB]
        wsems = sems[NB:]
        wid = lax.axis_index("s") * NC + lax.axis_index("c")
        g0 = wid * g_per_w

        pltpu.sync_copy(idx_hbm.at[pl.ds(g0, g_per_w)], idx_v)

        def g_descs(ch, b):
            return [
                pltpu.make_async_copy(
                    table_hbm.at[idx_v.at[ch * CG + q]],
                    rows_v.at[b, pl.ds(q * GROUP, GROUP)],
                    gsems[b],
                )
                for q in range(CG)
            ]

        def g_start(ch, b):
            for c in g_descs(ch, b):
                c.start()

        def g_wait(ch, b):
            for c in g_descs(ch, b):
                c.wait()

        def w_desc(ch, b):
            return pltpu.make_async_copy(
                rows_v.at[b],
                out_hbm.at[pl.ds((g0 + ch * CG) * GROUP, rows_per_chunk)],
                wsems[b],
            )

        g_start(0, 0)
        g_start(1, 1)
        g_wait(0, 0)
        w_desc(0, 0).start()
        g_start(2, 2)

        def body(m, _):
            j0 = 3 * m + 1
            for t, (b, bp) in enumerate(((1, 0), (2, 1), (0, 2))):
                j = j0 + t
                g_wait(j, b)
                w_desc(j, b).start()
                w_desc(j - 1, bp).wait()
                g_start(j + 2, bp)
            return 0

        lax.fori_loop(0, (n_chunks - 5) // 3, body, 0)

        j = n_chunks - 4
        g_wait(j, 1)
        w_desc(j, 1).start()
        w_desc(j - 1, 0).wait()
        g_start(j + 2, 0)
        j += 1
        g_wait(j, 2)
        w_desc(j, 2).start()
        w_desc(j - 1, 1).wait()
        g_start(j + 2, 1)
        j += 1
        g_wait(j, 0)
        w_desc(j, 0).start()
        j += 1
        g_wait(j, 1)
        w_desc(j, 1).start()
        w_desc(n_chunks - 3, 2).wait()
        w_desc(n_chunks - 2, 0).wait()
        w_desc(n_chunks - 1, 1).wait()

    return emb_kernel


def kernel(token_ids, emb):
    s0, s1 = token_ids.shape
    B = s0 * s1
    idx = token_ids.reshape(B // GROUP, GROUP).astype(jnp.int32)
    out = _build(B)(idx, emb)
    return out.reshape(s0, s1, D)

# --- scband reference (transcript-rebuilt; emitter-appended) ---
"""Pipeline reference for scband-embedding-46866683134423 (READ-ONLY COPY).

The authoritative reference and input builder live on the scoring server;
editing this copy changes nothing except your own understanding.
"""

import jax, jax.numpy as jnp
import numpy as np

NUM_EMBEDDINGS = 1000000
EMBEDDING_DIM = 64

def setup_inputs(seed: int = 0) -> dict:
    key = jax.random.key(seed)
    k_idx, k_emb = jax.random.split(key)
    token_ids = jax.random.randint(k_idx, (4096, 200), 0, NUM_EMBEDDINGS, dtype=jnp.int64 if jax.config.jax_enable_x64 else jnp.int32)
    # trunc_normal_(a=-3, b=3) with std=1 -> truncated normal in [-3, 3]
    emb = jax.random.truncated_normal(k_emb, -3.0, 3.0, (NUM_EMBEDDINGS, EMBEDDING_DIM), dtype=jnp.float32)
    return {"token_ids": token_ids, "emb": emb}

def reference(token_ids, emb):
    # Faithful translation of: return self.emb[token_ids]
    return jnp.take(emb, token_ids, axis=0)

if __name__ == "__main__":
    import jax
    _d = setup_inputs()
    print(jax.jit(kernel)(*tuple(_d.values())))

</pallas_src>

<mosaic_0001>
#map = affine_map<(d0, d1) -> (0, 0)>
module attributes {stable_mosaic.version = 14 : i64} {
  func.func @emb_kernel(%arg0: i32, %arg1: i32, %arg2: memref<6400x128xi32, #tpu.memory_space<hbm>>, %arg3: memref<1000000x64xf32, #tpu.memory_space<hbm>>, %arg4: memref<819200x64xf32, #tpu.memory_space<hbm>>, %arg5: memref<200x128xi32, #tpu.memory_space<vmem>>, %arg6: memref<3x512x64xf32, #tpu.memory_space<vmem>>, %arg7: memref<!tpu.dma_semaphore, #tpu.memory_space<semaphore_mem>>, %arg8: memref<!tpu.dma_semaphore, #tpu.memory_space<semaphore_mem>>, %arg9: memref<!tpu.dma_semaphore, #tpu.memory_space<semaphore_mem>>, %arg10: memref<!tpu.dma_semaphore, #tpu.memory_space<semaphore_mem>>, %arg11: memref<!tpu.dma_semaphore, #tpu.memory_space<semaphore_mem>>, %arg12: memref<!tpu.dma_semaphore, #tpu.memory_space<semaphore_mem>>) attributes {dimension_semantics = [#tpu.dimension_semantics<core_parallel>, #tpu.dimension_semantics<subcore_parallel>], iteration_bounds = array<i64: 2, 16>, scalar_prefetch = 0 : i64, scratch_operands = 8 : i64, tpu.core_type = #tpu.core_type<sc_vector_subcore>, window_params = [{transform_indices = #map}, {transform_indices = #map}, {transform_indices = #map}]} {
    %mul3A = arith.constant 2 : i32
    %mul3A_0 = arith.muli %arg1, %mul3A : i32
    %add3A = arith.addi %mul3A_0, %arg0 : i32
    %mul3A_1 = arith.constant 200 : i32
    %mul3A_2 = arith.muli %add3A, %mul3A_1 : i32
    "tpu.region"() ({
      %run_scoped3A = tpu.sem_alloc : memref<!tpu.dma_semaphore, #tpu.memory_space<semaphore_mem>>
      %dma_start3A_657 = arith.constant 0 : i32
      %dma_start3A_658 = tpu.memref_slice %arg2[%mul3A_2, %dma_start3A_657] : memref<6400x128xi32, #tpu.memory_space<hbm>> -> memref<200x128xi32, #tpu.memory_space<hbm>>
      %dma_start3A_659 = arith.constant 0 : i32
      %dma_start3A_660 = tpu.memref_slice %arg2[%mul3A_2, %dma_start3A_659] : memref<6400x128xi32, #tpu.memory_space<hbm>> -> memref<200x128xi32, #tpu.memory_space<hbm>>
      tpu.enqueue_dma source(%dma_start3A_660 : memref<200x128xi32, #tpu.memory_space<hbm>>) target(%arg5 : memref<200x128xi32, #tpu.memory_space<vmem>>) target_semaphore(%run_scoped3A : memref<!tpu.dma_semaphore, #tpu.memory_space<semaphore_mem>>)
      %dma_wait3A_661 = arith.constant 0 : i32
      %dma_wait3A_662 = tpu.memref_slice %arg2[%mul3A_2, %dma_wait3A_661] : memref<6400x128xi32, #tpu.memory_space<hbm>> -> memref<200x128xi32, #tpu.memory_space<hbm>>
      %dma_wait3A_663 = arith.constant 0 : i32
      %dma_wait3A_664 = tpu.memref_slice %arg2[%mul3A_2, %dma_wait3A_663] : memref<6400x128xi32, #tpu.memory_space<hbm>> -> memref<200x128xi32, #tpu.memory_space<hbm>>
      tpu.wait_dma2 semaphore(%run_scoped3A : memref<!tpu.dma_semaphore, #tpu.memory_space<semaphore_mem>>) src(%dma_wait3A_664 : memref<200x128xi32, #tpu.memory_space<hbm>>) dst(%arg5 : memref<200x128xi32, #tpu.memory_space<vmem>>)
      tpu.yield
    }) : () -> ()
    %dma_start3A = arith.constant 0 : i32
    %dma_start3A_3 = arith.constant 0 : i32
    %dma_start3A_4 = arith.constant 0 : i32
    %dma_start3A_5 = arith.constant 0 : i32
    %dma_start3A_6 = tpu.memref_slice %arg6[%dma_start3A_3, %dma_start3A_4, %dma_start3A_5] : memref<3x512x64xf32, #tpu.memory_space<vmem>> -> memref<1x128x64xf32, #tpu.memory_space<vmem>>
    %dma_start3A_7 = tpu.memref_squeeze %dma_start3A_6 : memref<1x128x64xf32, #tpu.memory_space<vmem>> -> memref<128x64xf32, #tpu.memory_space<vmem>>
    %dma_start3A_8 = arith.constant 0 : i32
    %dma_start3A_9 = tpu.memref_slice %arg5[%dma_start3A, %dma_start3A_8] : memref<200x128xi32, #tpu.memory_space<vmem>> -> memref<1x128xi32, #tpu.memory_space<vmem>>
    %dma_start3A_10 = tpu.memref_squeeze %dma_start3A_9 : memref<1x128xi32, #tpu.memory_space<vmem>> -> memref<128xi32, #tpu.memory_space<vmem>>
    %dma_start3A_11 = arith.constant 0 : i32
    %dma_start3A_12 = arith.constant 0 : i32
    %dma_start3A_13 = tpu.memref_slice %arg3[%dma_start3A_11, %dma_start3A_12] : memref<1000000x64xf32, #tpu.memory_space<hbm>> -> memref<1000000x64xf32, #tpu.memory_space<hbm>>
    tpu.enqueue_indirect_dma source(%dma_start3A_13 : memref<1000000x64xf32, #tpu.memory_space<hbm>>) target(%dma_start3A_7 : memref<128x64xf32, #tpu.memory_space<vmem>>) offsets(%dma_start3A_10 : memref<128xi32, #tpu.memory_space<vmem>>) semaphore(%arg7 : memref<!tpu.dma_semaphore, #tpu.memory_space<semaphore_mem>>)
    %dma_start3A_14 = arith.constant 1 : i32
    %dma_start3A_15 = arith.constant 0 : i32
    %dma_start3A_16 = arith.constant 128 : i32
    %dma_start3A_17 = arith.constant 0 : i32
    %dma_start3A_18 = tpu.memref_slice %arg6[%dma_start3A_15, %dma_start3A_16, %dma_start3A_17] : memref<3x512x64xf32, #tpu.memory_space<vmem>> -> memref<1x128x64xf32, #tpu.memory_space<vmem>>
    %dma_start3A_19 = tpu.memref_squeeze %dma_start3A_18 : memref<1x128x64xf32, #tpu.memory_space<vmem>> -> memref<128x64xf32, #tpu.memory_space<vmem>>
    %dma_start3A_20 = arith.constant 0 : i32
    %dma_start3A_21 = tpu.memref_slice %arg5[%dma_start3A_14, %dma_start3A_20] : memref<200x128xi32, #tpu.memory_space<vmem>> -> memref<1x128xi32, #tpu.memory_space<vmem>>
    %dma_start3A_22 = tpu.memref_squeeze %dma_start3A_21 : memref<1x128xi32, #tpu.memory_space<vmem>> -> memref<128xi32, #tpu.memory_space<vmem>>
    %dma_start3A_23 = arith.constant 0 : i32
    %dma_start3A_24 = arith.constant 0 : i32
    %dma_start3A_25 = tpu.memref_slice %arg3[%dma_start3A_23, %dma_start3A_24] : memref<1000000x64xf32, #tpu.memory_space<hbm>> -> memref<1000000x64xf32, #tpu.memory_space<hbm>>
    tpu.enqueue_indirect_dma source(%dma_start3A_25 : memref<1000000x64xf32, #tpu.memory_space<hbm>>) target(%dma_start3A_19 : memref<128x64xf32, #tpu.memory_space<vmem>>) offsets(%dma_start3A_22 : memref<128xi32, #tpu.memory_space<vmem>>) semaphore(%arg7 : memref<!tpu.dma_semaphore, #tpu.memory_space<semaphore_mem>>)
    %dma_start3A_26 = arith.constant 2 : i32
    %dma_start3A_27 = arith.constant 0 : i32
    %dma_start3A_28 = arith.constant 256 : i32
    %dma_start3A_29 = arith.constant 0 : i32
    %dma_start3A_30 = tpu.memref_slice %arg6[%dma_start3A_27, %dma_start3A_28, %dma_start3A_29] : memref<3x512x64xf32, #tpu.memory_space<vmem>> -> memref<1x128x64xf32, #tpu.memory_space<vmem>>
    %dma_start3A_31 = tpu.memref_squeeze %dma_start3A_30 : memref<1x128x64xf32, #tpu.memory_space<vmem>> -> memref<128x64xf32, #tpu.memory_space<vmem>>
    %dma_start3A_32 = arith.constant 0 : i32
    %dma_start3A_33 = tpu.memref_slice %arg5[%dma_start3A_26, %dma_start3A_32] : memref<200x128xi32, #tpu.memory_space<vmem>> -> memref<1x128xi32, #tpu.memory_space<vmem>>
    %dma_start3A_34 = tpu.memref_squeeze %dma_start3A_33 : memref<1x128xi32, #tpu.memory_space<vmem>> -> memref<128xi32, #tpu.memory_space<vmem>>
    %dma_start3A_35 = arith.constant 0 : i32
    %dma_start3A_36 = arith.constant 0 : i32
    %dma_start3A_37 = tpu.memref_slice %arg3[%dma_start3A_35, %dma_start3A_36] : memref<1000000x64xf32, #tpu.memory_space<hbm>> -> memref<1000000x64xf32, #tpu.memory_space<hbm>>
    tpu.enqueue_indirect_dma source(%dma_start3A_37 : memref<1000000x64xf32, #tpu.memory_space<hbm>>) target(%dma_start3A_31 : memref<128x64xf32, #tpu.memory_space<vmem>>) offsets(%dma_start3A_34 : memref<128xi32, #tpu.memory_space<vmem>>) semaphore(%arg7 : memref<!tpu.dma_semaphore, #tpu.memory_space<semaphore_mem>>)
    %dma_start3A_38 = arith.constant 3 : i32
    %dma_start3A_39 = arith.constant 0 : i32
    %dma_start3A_40 = arith.constant 384 : i32
    %dma_start3A_41 = arith.constant 0 : i32
    %dma_start3A_42 = tpu.memref_slice %arg6[%dma_start3A_39, %dma_start3A_40, %dma_start3A_41] : memref<3x512x64xf32, #tpu.memory_space<vmem>> -> memref<1x128x64xf32, #tpu.memory_space<vmem>>
    %dma_start3A_43 = tpu.memref_squeeze %dma_start3A_42 : memref<1x128x64xf32, #tpu.memory_space<vmem>> -> memref<128x64xf32, #tpu.memory_space<vmem>>
    %dma_start3A_44 = arith.constant 0 : i32
    %dma_start3A_45 = tpu.memref_slice %arg5[%dma_start3A_38, %dma_start3A_44] : memref<200x128xi32, #tpu.memory_space<vmem>> -> memref<1x128xi32, #tpu.memory_space<vmem>>
    %dma_start3A_46 = tpu.memref_squeeze %dma_start3A_45 : memref<1x128xi32, #tpu.memory_space<vmem>> -> memref<128xi32, #tpu.memory_space<vmem>>
    %dma_start3A_47 = arith.constant 0 : i32
    %dma_start3A_48 = arith.constant 0 : i32
    %dma_start3A_49 = tpu.memref_slice %arg3[%dma_start3A_47, %dma_start3A_48] : memref<1000000x64xf32, #tpu.memory_space<hbm>> -> memref<1000000x64xf32, #tpu.memory_space<hbm>>
    tpu.enqueue_indirect_dma source(%dma_start3A_49 : memref<1000000x64xf32, #tpu.memory_space<hbm>>) target(%dma_start3A_43 : memref<128x64xf32, #tpu.memory_space<vmem>>) offsets(%dma_start3A_46 : memref<128xi32, #tpu.memory_space<vmem>>) semaphore(%arg7 : memref<!tpu.dma_semaphore, #tpu.memory_space<semaphore_mem>>)
    %dma_start3A_50 = arith.constant 4 : i32
    %dma_start3A_51 = arith.constant 1 : i32
    %dma_start3A_52 = arith.constant 0 : i32
    %dma_start3A_53 = arith.constant 0 : i32
    %dma_start3A_54 = tpu.memref_slice %arg6[%dma_start3A_51, %dma_start3A_52, %dma_start3A_53] : memref<3x512x64xf32, #tpu.memory_space<vmem>> -> memref<1x128x64xf32, #tpu.memory_space<vmem>>
    %dma_start3A_55 = tpu.memref_squeeze %dma_start3A_54 : memref<1x128x64xf32, #tpu.memory_space<vmem>> -> memref<128x64xf32, #tpu.memory_space<vmem>>
    %dma_start3A_56 = arith.constant 0 : i32
    %dma_start3A_57 = tpu.memref_slice %arg5[%dma_start3A_50, %dma_start3A_56] : memref<200x128xi32, #tpu.memory_space<vmem>> -> memref<1x128xi32, #tpu.memory_space<vmem>>
    %dma_start3A_58 = tpu.memref_squeeze %dma_start3A_57 : memref<1x128xi32, #tpu.memory_space<vmem>> -> memref<128xi32, #tpu.memory_space<vmem>>
    %dma_start3A_59 = arith.constant 0 : i32
    %dma_start3A_60 = arith.constant 0 : i32
    %dma_start3A_61 = tpu.memref_slice %arg3[%dma_start3A_59, %dma_start3A_60] : memref<1000000x64xf32, #tpu.memory_space<hbm>> -> memref<1000000x64xf32, #tpu.memory_space<hbm>>
    tpu.enqueue_indirect_dma source(%dma_start3A_61 : memref<1000000x64xf32, #tpu.memory_space<hbm>>) target(%dma_start3A_55 : memref<128x64xf32, #tpu.memory_space<vmem>>) offsets(%dma_start3A_58 : memref<128xi32, #tpu.memory_space<vmem>>) semaphore(%arg8 : memref<!tpu.dma_semaphore, #tpu.memory_space<semaphore_mem>>)
    %dma_start3A_62 = arith.constant 5 : i32
    %dma_start3A_63 = arith.constant 1 : i32
    %dma_start3A_64 = arith.constant 128 : i32
    %dma_start3A_65 = arith.constant 0 : i32
    %dma_start3A_66 = tpu.memref_slice %arg6[%dma_start3A_63, %dma_start3A_64, %dma_start3A_65] : memref<3x512x64xf32, #tpu.memory_space<vmem>> -> memref<1x128x64xf32, #tpu.memory_space<vmem>>
    %dma_start3A_67 = tpu.memref_squeeze %dma_start3A_66 : memref<1x128x64xf32, #tpu.memory_space<vmem>> -> memref<128x64xf32, #tpu.memory_space<vmem>>
    %dma_start3A_68 = arith.constant 0 : i32
    %dma_start3A_69 = tpu.memref_slice %arg5[%dma_start3A_62, %dma_start3A_68] : memref<200x128xi32, #tpu.memory_space<vmem>> -> memref<1x128xi32, #tpu.memory_space<vmem>>
    %dma_start3A_70 = tpu.memref_squeeze %dma_start3A_69 : memref<1x128xi32, #tpu.memory_space<vmem>> -> memref<128xi32, #tpu.memory_space<vmem>>
    %dma_start3A_71 = arith.constant 0 : i32
    %dma_start3A_72 = arith.constant 0 : i32
    %dma_start3A_73 = tpu.memref_slice %arg3[%dma_start3A_71, %dma_start3A_72] : memref<1000000x64xf32, #tpu.memory_space<hbm>> -> memref<1000000x64xf32, #tpu.memory_space<hbm>>
    tpu.enqueue_indirect_dma source(%dma_start3A_73 : memref<1000000x64xf32, #tpu.memory_space<hbm>>) target(%dma_start3A_67 : memref<128x64xf32, #tpu.memory_space<vmem>>) offsets(%dma_start3A_70 : memref<128xi32, #tpu.memory_space<vmem>>) semaphore(%arg8 : memref<!tpu.dma_semaphore, #tpu.memory_space<semaphore_mem>>)
    %dma_start3A_74 = arith.constant 6 : i32
    %dma_start3A_75 = arith.constant 1 : i32
    %dma_start3A_76 = arith.constant 256 : i32
    %dma_start3A_77 = arith.constant 0 : i32
    %dma_start3A_78 = tpu.memref_slice %arg6[%dma_start3A_75, %dma_start3A_76, %dma_start3A_77] : memref<3x512x64xf32, #tpu.memory_space<vmem>> -> memref<1x128x64xf32, #tpu.memory_space<vmem>>
    %dma_start3A_79 = tpu.memref_squeeze %dma_start3A_78 : memref<1x128x64xf32, #tpu.memory_space<vmem>> -> memref<128x64xf32, #tpu.memory_space<vmem>>
    %dma_start3A_80 = arith.constant 0 : i32
    %dma_start3A_81 = tpu.memref_slice %arg5[%dma_start3A_74, %dma_start3A_80] : memref<200x128xi32, #tpu.memory_space<vmem>> -> memref<1x128xi32, #tpu.memory_space<vmem>>
    %dma_start3A_82 = tpu.memref_squeeze %dma_start3A_81 : memref<1x128xi32, #tpu.memory_space<vmem>> -> memref<128xi32, #tpu.memory_space<vmem>>
    %dma_start3A_83 = arith.constant 0 : i32
    %dma_start3A_84 = arith.constant 0 : i32
    %dma_start3A_85 = tpu.memref_slice %arg3[%dma_start3A_83, %dma_start3A_84] : memref<1000000x64xf32, #tpu.memory_space<hbm>> -> memref<1000000x64xf32, #tpu.memory_space<hbm>>
    tpu.enqueue_indirect_dma source(%dma_start3A_85 : memref<1000000x64xf32, #tpu.memory_space<hbm>>) target(%dma_start3A_79 : memref<128x64xf32, #tpu.memory_space<vmem>>) offsets(%dma_start3A_82 : memref<128xi32, #tpu.memory_space<vmem>>) semaphore(%arg8 : memref<!tpu.dma_semaphore, #tpu.memory_space<semaphore_mem>>)
    %dma_start3A_86 = arith.constant 7 : i32
    %dma_start3A_87 = arith.constant 1 : i32
    %dma_start3A_88 = arith.constant 384 : i32
    %dma_start3A_89 = arith.constant 0 : i32
    %dma_start3A_90 = tpu.memref_slice %arg6[%dma_start3A_87, %dma_start3A_88, %dma_start3A_89] : memref<3x512x64xf32, #tpu.memory_space<vmem>> -> memref<1x128x64xf32, #tpu.memory_space<vmem>>
    %dma_start3A_91 = tpu.memref_squeeze %dma_start3A_90 : memref<1x128x64xf32, #tpu.memory_space<vmem>> -> memref<128x64xf32, #tpu.memory_space<vmem>>
    %dma_start3A_92 = arith.constant 0 : i32
    %dma_start3A_93 = tpu.memref_slice %arg5[%dma_start3A_86, %dma_start3A_92] : memref<200x128xi32, #tpu.memory_space<vmem>> -> memref<1x128xi32, #tpu.memory_space<vmem>>
    %dma_start3A_94 = tpu.memref_squeeze %dma_start3A_93 : memref<1x128xi32, #tpu.memory_space<vmem>> -> memref<128xi32, #tpu.memory_space<vmem>>
    %dma_start3A_95 = arith.constant 0 : i32
    %dma_start3A_96 = arith.constant 0 : i32
    %dma_start3A_97 = tpu.memref_slice %arg3[%dma_start3A_95, %dma_start3A_96] : memref<1000000x64xf32, #tpu.memory_space<hbm>> -> memref<1000000x64xf32, #tpu.memory_space<hbm>>
    tpu.enqueue_indirect_dma source(%dma_start3A_97 : memref<1000000x64xf32, #tpu.memory_space<hbm>>) target(%dma_start3A_91 : memref<128x64xf32, #tpu.memory_space<vmem>>) offsets(%dma_start3A_94 : memref<128xi32, #tpu.memory_space<vmem>>) semaphore(%arg8 : memref<!tpu.dma_semaphore, #tpu.memory_space<semaphore_mem>>)
    %dma_wait3A = arith.constant 0 : i32
    %dma_wait3A_98 = arith.constant 0 : i32
    %dma_wait3A_99 = arith.constant 0 : i32
    %dma_wait3A_100 = arith.constant 0 : i32
    %dma_wait3A_101 = tpu.memref_slice %arg6[%dma_wait3A_98, %dma_wait3A_99, %dma_wait3A_100] : memref<3x512x64xf32, #tpu.memory_space<vmem>> -> memref<1x128x64xf32, #tpu.memory_space<vmem>>
    %dma_wait3A_102 = tpu.memref_squeeze %dma_wait3A_101 : memref<1x128x64xf32, #tpu.memory_space<vmem>> -> memref<128x64xf32, #tpu.memory_space<vmem>>
    %dma_wait3A_103 = arith.constant 0 : i32
    %dma_wait3A_104 = tpu.memref_slice %arg5[%dma_wait3A, %dma_wait3A_103] : memref<200x128xi32, #tpu.memory_space<vmem>> -> memref<1x128xi32, #tpu.memory_space<vmem>>
    %dma_wait3A_105 = tpu.memref_squeeze %dma_wait3A_104 : memref<1x128xi32, #tpu.memory_space<vmem>> -> memref<128xi32, #tpu.memory_space<vmem>>
    %dma_wait3A_106 = arith.constant 0 : i32
    %dma_wait3A_107 = arith.constant 0 : i32
    %dma_wait3A_108 = tpu.memref_slice %arg3[%dma_wait3A_106, %dma_wait3A_107] : memref<1000000x64xf32, #tpu.memory_space<hbm>> -> memref<1000000x64xf32, #tpu.memory_space<hbm>>
    tpu.wait_indirect_dma semaphore(%arg7 : memref<!tpu.dma_semaphore, #tpu.memory_space<semaphore_mem>>) src(%dma_wait3A_108 : memref<1000000x64xf32, #tpu.memory_space<hbm>>) dst(%dma_wait3A_102 : memref<128x64xf32, #tpu.memory_space<vmem>>)
    %dma_wait3A_109 = arith.constant 1 : i32
    %dma_wait3A_110 = arith.constant 0 : i32
    %dma_wait3A_111 = arith.constant 128 : i32
    %dma_wait3A_112 = arith.constant 0 : i32
    %dma_wait3A_113 = tpu.memref_slice %arg6[%dma_wait3A_110, %dma_wait3A_111, %dma_wait3A_112] : memref<3x512x64xf32, #tpu.memory_space<vmem>> -> memref<1x128x64xf32, #tpu.memory_space<vmem>>
    %dma_wait3A_114 = tpu.memref_squeeze %dma_wait3A_113 : memref<1x128x64xf32, #tpu.memory_space<vmem>> -> memref<128x64xf32, #tpu.memory_space<vmem>>
    %dma_wait3A_115 = arith.constant 0 : i32
    %dma_wait3A_116 = tpu.memref_slice %arg5[%dma_wait3A_109, %dma_wait3A_115] : memref<200x128xi32, #tpu.memory_space<vmem>> -> memref<1x128xi32, #tpu.memory_space<vmem>>
    %dma_wait3A_117 = tpu.memref_squeeze %dma_wait3A_116 : memref<1x128xi32, #tpu.memory_space<vmem>> -> memref<128xi32, #tpu.memory_space<vmem>>
    %dma_wait3A_118 = arith.constant 0 : i32
    %dma_wait3A_119 = arith.constant 0 : i32
    %dma_wait3A_120 = tpu.memref_slice %arg3[%dma_wait3A_118, %dma_wait3A_119] : memref<1000000x64xf32, #tpu.memory_space<hbm>> -> memref<1000000x64xf32, #tpu.memory_space<hbm>>
    tpu.wait_indirect_dma semaphore(%arg7 : memref<!tpu.dma_semaphore, #tpu.memory_space<semaphore_mem>>) src(%dma_wait3A_120 : memref<1000000x64xf32, #tpu.memory_space<hbm>>) dst(%dma_wait3A_114 : memref<128x64xf32, #tpu.memory_space<vmem>>)
    %dma_wait3A_121 = arith.constant 2 : i32
    %dma_wait3A_122 = arith.constant 0 : i32
    %dma_wait3A_123 = arith.constant 256 : i32
    %dma_wait3A_124 = arith.constant 0 : i32
    %dma_wait3A_125 = tpu.memref_slice %arg6[%dma_wait3A_122, %dma_wait3A_123, %dma_wait3A_124] : memref<3x512x64xf32, #tpu.memory_space<vmem>> -> memref<1x128x64xf32, #tpu.memory_space<vmem>>
    %dma_wait3A_126 = tpu.memref_squeeze %dma_wait3A_125 : memref<1x128x64xf32, #tpu.memory_space<vmem>> -> memref<128x64xf32, #tpu.memory_space<vmem>>
    %dma_wait3A_127 = arith.constant 0 : i32
    %dma_wait3A_128 = tpu.memref_slice %arg5[%dma_wait3A_121, %dma_wait3A_127] : memref<200x128xi32, #tpu.memory_space<vmem>> -> memref<1x128xi32, #tpu.memory_space<vmem>>
    %dma_wait3A_129 = tpu.memref_squeeze %dma_wait3A_128 : memref<1x128xi32, #tpu.memory_space<vmem>> -> memref<128xi32, #tpu.memory_space<vmem>>
    %dma_wait3A_130 = arith.constant 0 : i32
    %dma_wait3A_131 = arith.constant 0 : i32
    %dma_wait3A_132 = tpu.memref_slice %arg3[%dma_wait3A_130, %dma_wait3A_131] : memref<1000000x64xf32, #tpu.memory_space<hbm>> -> memref<1000000x64xf32, #tpu.memory_space<hbm>>
    tpu.wait_indirect_dma semaphore(%arg7 : memref<!tpu.dma_semaphore, #tpu.memory_space<semaphore_mem>>) src(%dma_wait3A_132 : memref<1000000x64xf32, #tpu.memory_space<hbm>>) dst(%dma_wait3A_126 : memref<128x64xf32, #tpu.memory_space<vmem>>)
    %dma_wait3A_133 = arith.constant 3 : i32
    %dma_wait3A_134 = arith.constant 0 : i32
    %dma_wait3A_135 = arith.constant 384 : i32
    %dma_wait3A_136 = arith.constant 0 : i32
    %dma_wait3A_137 = tpu.memref_slice %arg6[%dma_wait3A_134, %dma_wait3A_135, %dma_wait3A_136] : memref<3x512x64xf32, #tpu.memory_space<vmem>> -> memref<1x128x64xf32, #tpu.memory_space<vmem>>
    %dma_wait3A_138 = tpu.memref_squeeze %dma_wait3A_137 : memref<1x128x64xf32, #tpu.memory_space<vmem>> -> memref<128x64xf32, #tpu.memory_space<vmem>>
    %dma_wait3A_139 = arith.constant 0 : i32
    %dma_wait3A_140 = tpu.memref_slice %arg5[%dma_wait3A_133, %dma_wait3A_139] : memref<200x128xi32, #tpu.memory_space<vmem>> -> memref<1x128xi32, #tpu.memory_space<vmem>>
    %dma_wait3A_141 = tpu.memref_squeeze %dma_wait3A_140 : memref<1x128xi32, #tpu.memory_space<vmem>> -> memref<128xi32, #tpu.memory_space<vmem>>
    %dma_wait3A_142 = arith.constant 0 : i32
    %dma_wait3A_143 = arith.constant 0 : i32
    %dma_wait3A_144 = tpu.memref_slice %arg3[%dma_wait3A_142, %dma_wait3A_143] : memref<1000000x64xf32, #tpu.memory_space<hbm>> -> memref<1000000x64xf32, #tpu.memory_space<hbm>>
    tpu.wait_indirect_dma semaphore(%arg7 : memref<!tpu.dma_semaphore, #tpu.memory_space<semaphore_mem>>) src(%dma_wait3A_144 : memref<1000000x64xf32, #tpu.memory_space<hbm>>) dst(%dma_wait3A_138 : memref<128x64xf32, #tpu.memory_space<vmem>>)
    %add3A_145 = arith.constant 0 : i32
    %add3A_146 = arith.addi %mul3A_2, %add3A_145 : i32
    %mul3A_147 = arith.constant 128 : i32
    %mul3A_148 = arith.muli %add3A_146, %mul3A_147 : i32
    %dma_start3A_149 = arith.constant 0 : i32
    %dma_start3A_150 = arith.constant 0 : i32
    %dma_start3A_151 = arith.constant 0 : i32
    %dma_start3A_152 = tpu.memref_slice %arg6[%dma_start3A_149, %dma_start3A_150, %dma_start3A_151] : memref<3x512x64xf32, #tpu.memory_space<vmem>> -> memref<1x512x64xf32, #tpu.memory_space<vmem>>
    %dma_start3A_153 = tpu.memref_squeeze %dma_start3A_152 : memref<1x512x64xf32, #tpu.memory_space<vmem>> -> memref<512x64xf32, #tpu.memory_space<vmem>>
    %dma_start3A_154 = arith.constant 0 : i32
    %dma_start3A_155 = tpu.memref_slice %arg4[%mul3A_148, %dma_start3A_154] : memref<819200x64xf32, #tpu.memory_space<hbm>> -> memref<512x64xf32, #tpu.memory_space<hbm>>
    %dma_start3A_156 = arith.constant 0 : i32
    %dma_start3A_157 = tpu.memref_slice %arg4[%mul3A_148, %dma_start3A_156] : memref<819200x64xf32, #tpu.memory_space<hbm>> -> memref<512x64xf32, #tpu.memory_space<hbm>>
    %dma_start3A_158 = arith.constant 0 : i32
    %dma_start3A_159 = arith.constant 0 : i32
    %dma_start3A_160 = tpu.memref_slice %arg6[%dma_start3A_149, %dma_start3A_158, %dma_start3A_159] : memref<3x512x64xf32, #tpu.memory_space<vmem>> -> memref<1x512x64xf32, #tpu.memory_space<vmem>>
    %dma_start3A_161 = tpu.memref_squeeze %dma_start3A_160 : memref<1x512x64xf32, #tpu.memory_space<vmem>> -> memref<512x64xf32, #tpu.memory_space<vmem>>
    tpu.enqueue_dma source(%dma_start3A_161 : memref<512x64xf32, #tpu.memory_space<vmem>>) target(%dma_start3A_157 : memref<512x64xf32, #tpu.memory_space<hbm>>) target_semaphore(%arg10 : memref<!tpu.dma_semaphore, #tpu.memory_space<semaphore_mem>>)
    %dma_start3A_162 = arith.constant 8 : i32
    %dma_start3A_163 = arith.constant 2 : i32
    %dma_start3A_164 = arith.constant 0 : i32
    %dma_start3A_165 = arith.constant 0 : i32
    %dma_start3A_166 = tpu.memref_slice %arg6[%dma_start3A_163, %dma_start3A_164, %dma_start3A_165] : memref<3x512x64xf32, #tpu.memory_space<vmem>> -> memref<1x128x64xf32, #tpu.memory_space<vmem>>
    %dma_start3A_167 = tpu.memref_squeeze %dma_start3A_166 : memref<1x128x64xf32, #tpu.memory_space<vmem>> -> memref<128x64xf32, #tpu.memory_space<vmem>>
    %dma_start3A_168 = arith.constant 0 : i32
    %dma_start3A_169 = tpu.memref_slice %arg5[%dma_start3A_162, %dma_start3A_168] : memref<200x128xi32, #tpu.memory_space<vmem>> -> memref<1x128xi32, #tpu.memory_space<vmem>>
    %dma_start3A_170 = tpu.memref_squeeze %dma_start3A_169 : memref<1x128xi32, #tpu.memory_space<vmem>> -> memref<128xi32, #tpu.memory_space<vmem>>
    %dma_start3A_171 = arith.constant 0 : i32
    %dma_start3A_172 = arith.constant 0 : i32
    %dma_start3A_173 = tpu.memref_slice %arg3[%dma_start3A_171, %dma_start3A_172] : memref<1000000x64xf32, #tpu.memory_space<hbm>> -> memref<1000000x64xf32, #tpu.memory_space<hbm>>
    tpu.enqueue_indirect_dma source(%dma_start3A_173 : memref<1000000x64xf32, #tpu.memory_space<hbm>>) target(%dma_start3A_167 : memref<128x64xf32, #tpu.memory_space<vmem>>) offsets(%dma_start3A_170 : memref<128xi32, #tpu.memory_space<vmem>>) semaphore(%arg9 : memref<!tpu.dma_semaphore, #tpu.memory_space<semaphore_mem>>)
    %dma_start3A_174 = arith.constant 9 : i32
    %dma_start3A_175 = arith.constant 2 : i32
    %dma_start3A_176 = arith.constant 128 : i32
    %dma_start3A_177 = arith.constant 0 : i32
    %dma_start3A_178 = tpu.memref_slice %arg6[%dma_start3A_175, %dma_start3A_176, %dma_start3A_177] : memref<3x512x64xf32, #tpu.memory_space<vmem>> -> memref<1x128x64xf32, #tpu.memory_space<vmem>>
    %dma_start3A_179 = tpu.memref_squeeze %dma_start3A_178 : memref<1x128x64xf32, #tpu.memory_space<vmem>> -> memref<128x64xf32, #tpu.memory_space<vmem>>
    %dma_start3A_180 = arith.constant 0 : i32
    %dma_start3A_181 = tpu.memref_slice %arg5[%dma_start3A_174, %dma_start3A_180] : memref<200x128xi32, #tpu.memory_space<vmem>> -> memref<1x128xi32, #tpu.memory_space<vmem>>
    %dma_start3A_182 = tpu.memref_squeeze %dma_start3A_181 : memref<1x128xi32, #tpu.memory_space<vmem>> -> memref<128xi32, #tpu.memory_space<vmem>>
    %dma_start3A_183 = arith.constant 0 : i32
    %dma_start3A_184 = arith.constant 0 : i32
    %dma_start3A_185 = tpu.memref_slice %arg3[%dma_start3A_183, %dma_start3A_184] : memref<1000000x64xf32, #tpu.memory_space<hbm>> -> memref<1000000x64xf32, #tpu.memory_space<hbm>>
    tpu.enqueue_indirect_dma source(%dma_start3A_185 : memref<1000000x64xf32, #tpu.memory_space<hbm>>) target(%dma_start3A_179 : memref<128x64xf32, #tpu.memory_space<vmem>>) offsets(%dma_start3A_182 : memref<128xi32, #tpu.memory_space<vmem>>) semaphore(%arg9 : memref<!tpu.dma_semaphore, #tpu.memory_space<semaphore_mem>>)
    %dma_start3A_186 = arith.constant 10 : i32
    %dma_start3A_187 = arith.constant 2 : i32
    %dma_start3A_188 = arith.constant 256 : i32
    %dma_start3A_189 = arith.constant 0 : i32
    %dma_start3A_190 = tpu.memref_slice %arg6[%dma_start3A_187, %dma_start3A_188, %dma_start3A_189] : memref<3x512x64xf32, #tpu.memory_space<vmem>> -> memref<1x128x64xf32, #tpu.memory_space<vmem>>
    %dma_start3A_191 = tpu.memref_squeeze %dma_start3A_190 : memref<1x128x64xf32, #tpu.memory_space<vmem>> -> memref<128x64xf32, #tpu.memory_space<vmem>>
    %dma_start3A_192 = arith.constant 0 : i32
    %dma_start3A_193 = tpu.memref_slice %arg5[%dma_start3A_186, %dma_start3A_192] : memref<200x128xi32, #tpu.memory_space<vmem>> -> memref<1x128xi32, #tpu.memory_space<vmem>>
    %dma_start3A_194 = tpu.memref_squeeze %dma_start3A_193 : memref<1x128xi32, #tpu.memory_space<vmem>> -> memref<128xi32, #tpu.memory_space<vmem>>
    %dma_start3A_195 = arith.constant 0 : i32
    %dma_start3A_196 = arith.constant 0 : i32
    %dma_start3A_197 = tpu.memref_slice %arg3[%dma_start3A_195, %dma_start3A_196] : memref<1000000x64xf32, #tpu.memory_space<hbm>> -> memref<1000000x64xf32, #tpu.memory_space<hbm>>
    tpu.enqueue_indirect_dma source(%dma_start3A_197 : memref<1000000x64xf32, #tpu.memory_space<hbm>>) target(%dma_start3A_191 : memref<128x64xf32, #tpu.memory_space<vmem>>) offsets(%dma_start3A_194 : memref<128xi32, #tpu.memory_space<vmem>>) semaphore(%arg9 : memref<!tpu.dma_semaphore, #tpu.memory_space<semaphore_mem>>)
    %dma_start3A_198 = arith.constant 11 : i32
    %dma_start3A_199 = arith.constant 2 : i32
    %dma_start3A_200 = arith.constant 384 : i32
    %dma_start3A_201 = arith.constant 0 : i32
    %dma_start3A_202 = tpu.memref_slice %arg6[%dma_start3A_199, %dma_start3A_200, %dma_start3A_201] : memref<3x512x64xf32, #tpu.memory_space<vmem>> -> memref<1x128x64xf32, #tpu.memory_space<vmem>>
    %dma_start3A_203 = tpu.memref_squeeze %dma_start3A_202 : memref<1x128x64xf32, #tpu.memory_space<vmem>> -> memref<128x64xf32, #tpu.memory_space<vmem>>
    %dma_start3A_204 = arith.constant 0 : i32
    %dma_start3A_205 = tpu.memref_slice %arg5[%dma_start3A_198, %dma_start3A_204] : memref<200x128xi32, #tpu.memory_space<vmem>> -> memref<1x128xi32, #tpu.memory_space<vmem>>
    %dma_start3A_206 = tpu.memref_squeeze %dma_start3A_205 : memref<1x128xi32, #tpu.memory_space<vmem>> -> memref<128xi32, #tpu.memory_space<vmem>>
    %dma_start3A_207 = arith.constant 0 : i32
    %dma_start3A_208 = arith.constant 0 : i32
    %dma_start3A_209 = tpu.memref_slice %arg3[%dma_start3A_207, %dma_start3A_208] : memref<1000000x64xf32, #tpu.memory_space<hbm>> -> memref<1000000x64xf32, #tpu.memory_space<hbm>>
    tpu.enqueue_indirect_dma source(%dma_start3A_209 : memref<1000000x64xf32, #tpu.memory_space<hbm>>) target(%dma_start3A_203 : memref<128x64xf32, #tpu.memory_space<vmem>>) offsets(%dma_start3A_206 : memref<128xi32, #tpu.memory_space<vmem>>) semaphore(%arg9 : memref<!tpu.dma_semaphore, #tpu.memory_space<semaphore_mem>>)
    %scan3A = arith.constant 0 : i32
    %scan3A_210 = arith.constant 0 : i32
    %scan3A_211 = arith.constant 15 : i32
    %scan3A_212 = arith.addi %scan3A_210, %scan3A_211 : i32
    %scan3A_213 = arith.constant 1 : i32
    %scan3A_214 = scf.for %scan3A_657 = %scan3A_210 to %scan3A_212 step %scan3A_213 iter_args(%scan3A_658 = %scan3A) -> (i32)  : i32 {
      %mul3A_659 = arith.constant 3 : i32
      %mul3A_660 = arith.muli %mul3A_659, %scan3A_657 : i32
      %add3A_661 = arith.constant 1 : i32
      %add3A_662 = arith.addi %mul3A_660, %add3A_661 : i32
      %add3A_663 = arith.constant 0 : i32
      %add3A_664 = arith.addi %add3A_662, %add3A_663 : i32
      %mul3A_665 = arith.constant 4 : i32
      %mul3A_666 = arith.muli %add3A_664, %mul3A_665 : i32
      %add3A_667 = arith.constant 0 : i32
      %add3A_668 = arith.addi %mul3A_666, %add3A_667 : i32
      %mul3A_669 = arith.constant 4 : i32
      %mul3A_670 = arith.muli %add3A_664, %mul3A_669 : i32
      %add3A_671 = arith.constant 1 : i32
      %add3A_672 = arith.addi %mul3A_670, %add3A_671 : i32
      %mul3A_673 = arith.constant 4 : i32
      %mul3A_674 = arith.muli %add3A_664, %mul3A_673 : i32
      %add3A_675 = arith.constant 2 : i32
      %add3A_676 = arith.addi %mul3A_674, %add3A_675 : i32
      %mul3A_677 = arith.constant 4 : i32
      %mul3A_678 = arith.muli %add3A_664, %mul3A_677 : i32
      %add3A_679 = arith.constant 3 : i32
      %add3A_680 = arith.addi %mul3A_678, %add3A_679 : i32
      %dma_wait3A_681 = arith.constant 1 : i32
      %dma_wait3A_682 = arith.constant 0 : i32
      %dma_wait3A_683 = arith.constant 0 : i32
      %dma_wait3A_684 = tpu.memref_slice %arg6[%dma_wait3A_681, %dma_wait3A_682, %dma_wait3A_683] : memref<3x512x64xf32, #tpu.memory_space<vmem>> -> memref<1x128x64xf32, #tpu.memory_space<vmem>>
      %dma_wait3A_685 = tpu.memref_squeeze %dma_wait3A_684 : memref<1x128x64xf32, #tpu.memory_space<vmem>> -> memref<128x64xf32, #tpu.memory_space<vmem>>
      %dma_wait3A_686 = arith.constant 0 : i32
      %dma_wait3A_687 = tpu.memref_slice %arg5[%add3A_668, %dma_wait3A_686] : memref<200x128xi32, #tpu.memory_space<vmem>> -> memref<1x128xi32, #tpu.memory_space<vmem>>
      %dma_wait3A_688 = tpu.memref_squeeze %dma_wait3A_687 : memref<1x128xi32, #tpu.memory_space<vmem>> -> memref<128xi32, #tpu.memory_space<vmem>>
      %dma_wait3A_689 = arith.constant 0 : i32
      %dma_wait3A_690 = arith.constant 0 : i32
      %dma_wait3A_691 = tpu.memref_slice %arg3[%dma_wait3A_689, %dma_wait3A_690] : memref<1000000x64xf32, #tpu.memory_space<hbm>> -> memref<1000000x64xf32, #tpu.memory_space<hbm>>
      tpu.wait_indirect_dma semaphore(%arg8 : memref<!tpu.dma_semaphore, #tpu.memory_space<semaphore_mem>>) src(%dma_wait3A_691 : memref<1000000x64xf32, #tpu.memory_space<hbm>>) dst(%dma_wait3A_685 : memref<128x64xf32, #tpu.memory_space<vmem>>)
      %dma_wait3A_692 = arith.constant 1 : i32
      %dma_wait3A_693 = arith.constant 128 : i32
      %dma_wait3A_694 = arith.constant 0 : i32
      %dma_wait3A_695 = tpu.memref_slice %arg6[%dma_wait3A_692, %dma_wait3A_693, %dma_wait3A_694] : memref<3x512x64xf32, #tpu.memory_space<vmem>> -> memref<1x128x64xf32, #tpu.memory_space<vmem>>
      %dma_wait3A_696 = tpu.memref_squeeze %dma_wait3A_695 : memref<1x128x64xf32, #tpu.memory_space<vmem>> -> memref<128x64xf32, #tpu.memory_space<vmem>>
      %dma_wait3A_697 = arith.constant 0 : i32
      %dma_wait3A_698 = tpu.memref_slice %arg5[%add3A_672, %dma_wait3A_697] : memref<200x128xi32, #tpu.memory_space<vmem>> -> memref<1x128xi32, #tpu.memory_space<vmem>>
      %dma_wait3A_699 = tpu.memref_squeeze %dma_wait3A_698 : memref<1x128xi32, #tpu.memory_space<vmem>> -> memref<128xi32, #tpu.memory_space<vmem>>
      %dma_wait3A_700 = arith.constant 0 : i32
      %dma_wait3A_701 = arith.constant 0 : i32
      %dma_wait3A_702 = tpu.memref_slice %arg3[%dma_wait3A_700, %dma_wait3A_701] : memref<1000000x64xf32, #tpu.memory_space<hbm>> -> memref<1000000x64xf32, #tpu.memory_space<hbm>>
      tpu.wait_indirect_dma semaphore(%arg8 : memref<!tpu.dma_semaphore, #tpu.memory_space<semaphore_mem>>) src(%dma_wait3A_702 : memref<1000000x64xf32, #tpu.memory_space<hbm>>) dst(%dma_wait3A_696 : memref<128x64xf32, #tpu.memory_space<vmem>>)
      %dma_wait3A_703 = arith.constant 1 : i32
      %dma_wait3A_704 = arith.constant 256 : i32
      %dma_wait3A_705 = arith.constant 0 : i32
      %dma_wait3A_706 = tpu.memref_slice %arg6[%dma_wait3A_703, %dma_wait3A_704, %dma_wait3A_705] : memref<3x512x64xf32, #tpu.memory_space<vmem>> -> memref<1x128x64xf32, #tpu.memory_space<vmem>>
      %dma_wait3A_707 = tpu.memref_squeeze %dma_wait3A_706 : memref<1x128x64xf32, #tpu.memory_space<vmem>> -> memref<128x64xf32, #tpu.memory_space<vmem>>
      %dma_wait3A_708 = arith.constant 0 : i32
      %dma_wait3A_709 = tpu.memref_slice %arg5[%add3A_676, %dma_wait3A_708] : memref<200x128xi32, #tpu.memory_space<vmem>> -> memref<1x128xi32, #tpu.memory_space<vmem>>
      %dma_wait3A_710 = tpu.memref_squeeze %dma_wait3A_709 : memref<1x128xi32, #tpu.memory_space<vmem>> -> memref<128xi32, #tpu.memory_space<vmem>>
      %dma_wait3A_711 = arith.constant 0 : i32
      %dma_wait3A_712 = arith.constant 0 : i32
      %dma_wait3A_713 = tpu.memref_slice %arg3[%dma_wait3A_711, %dma_wait3A_712] : memref<1000000x64xf32, #tpu.memory_space<hbm>> -> memref<1000000x64xf32, #tpu.memory_space<hbm>>
      tpu.wait_indirect_dma semaphore(%arg8 : memref<!tpu.dma_semaphore, #tpu.memory_space<semaphore_mem>>) src(%dma_wait3A_713 : memref<1000000x64xf32, #tpu.memory_space<hbm>>) dst(%dma_wait3A_707 : memref<128x64xf32, #tpu.memory_space<vmem>>)
      %dma_wait3A_714 = arith.constant 1 : i32
      %dma_wait3A_715 = arith.constant 384 : i32
      %dma_wait3A_716 = arith.constant 0 : i32
      %dma_wait3A_717 = tpu.memref_slice %arg6[%dma_wait3A_714, %dma_wait3A_715, %dma_wait3A_716] : memref<3x512x64xf32, #tpu.memory_space<vmem>> -> memref<1x128x64xf32, #tpu.memory_space<vmem>>
      %dma_wait3A_718 = tpu.memref_squeeze %dma_wait3A_717 : memref<1x128x64xf32, #tpu.memory_space<vmem>> -> memref<128x64xf32, #tpu.memory_space<vmem>>
      %dma_wait3A_719 = arith.constant 0 : i32
      %dma_wait3A_720 = tpu.memref_slice %arg5[%add3A_680, %dma_wait3A_719] : memref<200x128xi32, #tpu.memory_space<vmem>> -> memref<1x128xi32, #tpu.memory_space<vmem>>
      %dma_wait3A_721 = tpu.memref_squeeze %dma_wait3A_720 : memref<1x128xi32, #tpu.memory_space<vmem>> -> memref<128xi32, #tpu.memory_space<vmem>>
      %dma_wait3A_722 = arith.constant 0 : i32
      %dma_wait3A_723 = arith.constant 0 : i32
      %dma_wait3A_724 = tpu.memref_slice %arg3[%dma_wait3A_722, %dma_wait3A_723] : memref<1000000x64xf32, #tpu.memory_space<hbm>> -> memref<1000000x64xf32, #tpu.memory_space<hbm>>
      tpu.wait_indirect_dma semaphore(%arg8 : memref<!tpu.dma_semaphore, #tpu.memory_space<semaphore_mem>>) src(%dma_wait3A_724 : memref<1000000x64xf32, #tpu.memory_space<hbm>>) dst(%dma_wait3A_718 : memref<128x64xf32, #tpu.memory_space<vmem>>)
      %mul3A_725 = arith.constant 4 : i32
      %mul3A_726 = arith.muli %add3A_664, %mul3A_725 : i32
      %add3A_727 = arith.addi %mul3A_2, %mul3A_726 : i32
      %mul3A_728 = arith.constant 128 : i32
      %mul3A_729 = arith.muli %add3A_727, %mul3A_728 : i32
      %dma_start3A_730 = arith.constant 1 : i32
      %dma_start3A_731 = arith.constant 0 : i32
      %dma_start3A_732 = arith.constant 0 : i32
      %dma_start3A_733 = tpu.memref_slice %arg6[%dma_start3A_730, %dma_start3A_731, %dma_start3A_732] : memref<3x512x64xf32, #tpu.memory_space<vmem>> -> memref<1x512x64xf32, #tpu.memory_space<vmem>>
      %dma_start3A_734 = tpu.memref_squeeze %dma_start3A_733 : memref<1x512x64xf32, #tpu.memory_space<vmem>> -> memref<512x64xf32, #tpu.memory_space<vmem>>
      %dma_start3A_735 = arith.constant 0 : i32
      %dma_start3A_736 = tpu.memref_slice %arg4[%mul3A_729, %dma_start3A_735] : memref<819200x64xf32, #tpu.memory_space<hbm>> -> memref<512x64xf32, #tpu.memory_space<hbm>>
      %dma_start3A_737 = arith.constant 0 : i32
      %dma_start3A_738 = tpu.memref_slice %arg4[%mul3A_729, %dma_start3A_737] : memref<819200x64xf32, #tpu.memory_space<hbm>> -> memref<512x64xf32, #tpu.memory_space<hbm>>
      %dma_start3A_739 = arith.constant 0 : i32
      %dma_start3A_740 = arith.constant 0 : i32
      %dma_start3A_741 = tpu.memref_slice %arg6[%dma_start3A_730, %dma_start3A_739, %dma_start3A_740] : memref<3x512x64xf32, #tpu.memory_space<vmem>> -> memref<1x512x64xf32, #tpu.memory_space<vmem>>
      %dma_start3A_742 = tpu.memref_squeeze %dma_start3A_741 : memref<1x512x64xf32, #tpu.memory_space<vmem>> -> memref<512x64xf32, #tpu.memory_space<vmem>>
      tpu.enqueue_dma source(%dma_start3A_742 : memref<512x64xf32, #tpu.memory_space<vmem>>) target(%dma_start3A_738 : memref<512x64xf32, #tpu.memory_space<hbm>>) target_semaphore(%arg11 : memref<!tpu.dma_semaphore, #tpu.memory_space<semaphore_mem>>)
      %sub3A = arith.constant 1 : i32
      %sub3A_743 = arith.subi %add3A_664, %sub3A : i32
      %mul3A_744 = arith.constant 4 : i32
      %mul3A_745 = arith.muli %sub3A_743, %mul3A_744 : i32
      %add3A_746 = arith.addi %mul3A_2, %mul3A_745 : i32
      %mul3A_747 = arith.constant 128 : i32
      %mul3A_748 = arith.muli %add3A_746, %mul3A_747 : i32
      %dma_wait3A_749 = arith.constant 0 : i32
      %dma_wait3A_750 = arith.constant 0 : i32
      %dma_wait3A_751 = arith.constant 0 : i32
      %dma_wait3A_752 = tpu.memref_slice %arg6[%dma_wait3A_749, %dma_wait3A_750, %dma_wait3A_751] : memref<3x512x64xf32, #tpu.memory_space<vmem>> -> memref<1x512x64xf32, #tpu.memory_space<vmem>>
      %dma_wait3A_753 = tpu.memref_squeeze %dma_wait3A_752 : memref<1x512x64xf32, #tpu.memory_space<vmem>> -> memref<512x64xf32, #tpu.memory_space<vmem>>
      %dma_wait3A_754 = arith.constant 0 : i32
      %dma_wait3A_755 = tpu.memref_slice %arg4[%mul3A_748, %dma_wait3A_754] : memref<819200x64xf32, #tpu.memory_space<hbm>> -> memref<512x64xf32, #tpu.memory_space<hbm>>
      %dma_wait3A_756 = arith.constant 0 : i32
      %dma_wait3A_757 = tpu.memref_slice %arg4[%mul3A_748, %dma_wait3A_756] : memref<819200x64xf32, #tpu.memory_space<hbm>> -> memref<512x64xf32, #tpu.memory_space<hbm>>
      %dma_wait3A_758 = arith.constant 0 : i32
      %dma_wait3A_759 = arith.constant 0 : i32
      %dma_wait3A_760 = tpu.memref_slice %arg6[%dma_wait3A_749, %dma_wait3A_758, %dma_wait3A_759] : memref<3x512x64xf32, #tpu.memory_space<vmem>> -> memref<1x512x64xf32, #tpu.memory_space<vmem>>
      %dma_wait3A_761 = tpu.memref_squeeze %dma_wait3A_760 : memref<1x512x64xf32, #tpu.memory_space<vmem>> -> memref<512x64xf32, #tpu.memory_space<vmem>>
      tpu.wait_dma2 semaphore(%arg10 : memref<!tpu.dma_semaphore, #tpu.memory_space<semaphore_mem>>) src(%dma_wait3A_761 : memref<512x64xf32, #tpu.memory_space<vmem>>) dst(%dma_wait3A_757 : memref<512x64xf32, #tpu.memory_space<hbm>>)
      %add3A_762 = arith.constant 2 : i32
      %add3A_763 = arith.addi %add3A_664, %add3A_762 : i32
      %mul3A_764 = arith.constant 4 : i32
      %mul3A_765 = arith.muli %add3A_763, %mul3A_764 : i32
      %add3A_766 = arith.constant 0 : i32
      %add3A_767 = arith.addi %mul3A_765, %add3A_766 : i32
      %mul3A_768 = arith.constant 4 : i32
      %mul3A_769 = arith.muli %add3A_763, %mul3A_768 : i32
      %add3A_770 = arith.constant 1 : i32
      %add3A_771 = arith.addi %mul3A_769, %add3A_770 : i32
      %mul3A_772 = arith.constant 4 : i32
      %mul3A_773 = arith.muli %add3A_763, %mul3A_772 : i32
      %add3A_774 = arith.constant 2 : i32
      %add3A_775 = arith.addi %mul3A_773, %add3A_774 : i32
      %mul3A_776 = arith.constant 4 : i32
      %mul3A_777 = arith.muli %add3A_763, %mul3A_776 : i32
      %add3A_778 = arith.constant 3 : i32
      %add3A_779 = arith.addi %mul3A_777, %add3A_778 : i32
      %dma_start3A_780 = arith.constant 0 : i32
      %dma_start3A_781 = arith.constant 0 : i32
      %dma_start3A_782 = arith.constant 0 : i32
      %dma_start3A_783 = tpu.memref_slice %arg6[%dma_start3A_780, %dma_start3A_781, %dma_start3A_782] : memref<3x512x64xf32, #tpu.memory_space<vmem>> -> memref<1x128x64xf32, #tpu.memory_space<vmem>>
      %dma_start3A_784 = tpu.memref_squeeze %dma_start3A_783 : memref<1x128x64xf32, #tpu.memory_space<vmem>> -> memref<128x64xf32, #tpu.memory_space<vmem>>
      %dma_start3A_785 = arith.constant 0 : i32
      %dma_start3A_786 = tpu.memref_slice %arg5[%add3A_767, %dma_start3A_785] : memref<200x128xi32, #tpu.memory_space<vmem>> -> memref<1x128xi32, #tpu.memory_space<vmem>>
      %dma_start3A_787 = tpu.memref_squeeze %dma_start3A_786 : memref<1x128xi32, #tpu.memory_space<vmem>> -> memref<128xi32, #tpu.memory_space<vmem>>
      %dma_start3A_788 = arith.constant 0 : i32
      %dma_start3A_789 = arith.constant 0 : i32
      %dma_start3A_790 = tpu.memref_slice %arg3[%dma_start3A_788, %dma_start3A_789] : memref<1000000x64xf32, #tpu.memory_space<hbm>> -> memref<1000000x64xf32, #tpu.memory_space<hbm>>
      tpu.enqueue_indirect_dma source(%dma_start3A_790 : memref<1000000x64xf32, #tpu.memory_space<hbm>>) target(%dma_start3A_784 : memref<128x64xf32, #tpu.memory_space<vmem>>) offsets(%dma_start3A_787 : memref<128xi32, #tpu.memory_space<vmem>>) semaphore(%arg7 : memref<!tpu.dma_semaphore, #tpu.memory_space<semaphore_mem>>)
      %dma_start3A_791 = arith.constant 0 : i32
      %dma_start3A_792 = arith.constant 128 : i32
      %dma_start3A_793 = arith.constant 0 : i32
      %dma_start3A_794 = tpu.memref_slice %arg6[%dma_start3A_791, %dma_start3A_792, %dma_start3A_793] : memref<3x512x64xf32, #tpu.memory_space<vmem>> -> memref<1x128x64xf32, #tpu.memory_space<vmem>>
      %dma_start3A_795 = tpu.memref_squeeze %dma_start3A_794 : memref<1x128x64xf32, #tpu.memory_space<vmem>> -> memref<128x64xf32, #tpu.memory_space<vmem>>
      %dma_start3A_796 = arith.constant 0 : i32
      %dma_start3A_797 = tpu.memref_slice %arg5[%add3A_771, %dma_start3A_796] : memref<200x128xi32, #tpu.memory_space<vmem>> -> memref<1x128xi32, #tpu.memory_space<vmem>>
      %dma_start3A_798 = tpu.memref_squeeze %dma_start3A_797 : memref<1x128xi32, #tpu.memory_space<vmem>> -> memref<128xi32, #tpu.memory_space<vmem>>
      %dma_start3A_799 = arith.constant 0 : i32
      %dma_start3A_800 = arith.constant 0 : i32
      %dma_start3A_801 = tpu.memref_slice %arg3[%dma_start3A_799, %dma_start3A_800] : memref<1000000x64xf32, #tpu.memory_space<hbm>> -> memref<1000000x64xf32, #tpu.memory_space<hbm>>
      tpu.enqueue_indirect_dma source(%dma_start3A_801 : memref<1000000x64xf32, #tpu.memory_space<hbm>>) target(%dma_start3A_795 : memref<128x64xf32, #tpu.memory_space<vmem>>) offsets(%dma_start3A_798 : memref<128xi32, #tpu.memory_space<vmem>>) semaphore(%arg7 : memref<!tpu.dma_semaphore, #tpu.memory_space<semaphore_mem>>)
      %dma_start3A_802 = arith.constant 0 : i32
      %dma_start3A_803 = arith.constant 256 : i32
      %dma_start3A_804 = arith.constant 0 : i32
      %dma_start3A_805 = tpu.memref_slice %arg6[%dma_start3A_802, %dma_start3A_803, %dma_start3A_804] : memref<3x512x64xf32, #tpu.memory_space<vmem>> -> memref<1x128x64xf32, #tpu.memory_space<vmem>>
      %dma_start3A_806 = tpu.memref_squeeze %dma_start3A_805 : memref<1x128x64xf32, #tpu.memory_space<vmem>> -> memref<128x64xf32, #tpu.memory_space<vmem>>
      %dma_start3A_807 = arith.constant 0 : i32
      %dma_start3A_808 = tpu.memref_slice %arg5[%add3A_775, %dma_start3A_807] : memref<200x128xi32, #tpu.memory_space<vmem>> -> memref<1x128xi32, #tpu.memory_space<vmem>>
      %dma_start3A_809 = tpu.memref_squeeze %dma_start3A_808 : memref<1x128xi32, #tpu.memory_space<vmem>> -> memref<128xi32, #tpu.memory_space<vmem>>
      %dma_start3A_810 = arith.constant 0 : i32
      %dma_start3A_811 = arith.constant 0 : i32
      %dma_start3A_812 = tpu.memref_slice %arg3[%dma_start3A_810, %dma_start3A_811] : memref<1000000x64xf32, #tpu.memory_space<hbm>> -> memref<1000000x64xf32, #tpu.memory_space<hbm>>
      tpu.enqueue_indirect_dma source(%dma_start3A_812 : memref<1000000x64xf32, #tpu.memory_space<hbm>>) target(%dma_start3A_806 : memref<128x64xf32, #tpu.memory_space<vmem>>) offsets(%dma_start3A_809 : memref<128xi32, #tpu.memory_space<vmem>>) semaphore(%arg7 : memref<!tpu.dma_semaphore, #tpu.memory_space<semaphore_mem>>)
      %dma_start3A_813 = arith.constant 0 : i32
      %dma_start3A_814 = arith.constant 384 : i32
      %dma_start3A_815 = arith.constant 0 : i32
      %dma_start3A_816 = tpu.memref_slice %arg6[%dma_start3A_813, %dma_start3A_814, %dma_start3A_815] : memref<3x512x64xf32, #tpu.memory_space<vmem>> -> memref<1x128x64xf32, #tpu.memory_space<vmem>>
      %dma_start3A_817 = tpu.memref_squeeze %dma_start3A_816 : memref<1x128x64xf32, #tpu.memory_space<vmem>> -> memref<128x64xf32, #tpu.memory_space<vmem>>
      %dma_start3A_818 = arith.constant 0 : i32
      %dma_start3A_819 = tpu.memref_slice %arg5[%add3A_779, %dma_start3A_818] : memref<200x128xi32, #tpu.memory_space<vmem>> -> memref<1x128xi32, #tpu.memory_space<vmem>>
      %dma_start3A_820 = tpu.memref_squeeze %dma_start3A_819 : memref<1x128xi32, #tpu.memory_space<vmem>> -> memref<128xi32, #tpu.memory_space<vmem>>
      %dma_start3A_821 = arith.constant 0 : i32
      %dma_start3A_822 = arith.constant 0 : i32
      %dma_start3A_823 = tpu.memref_slice %arg3[%dma_start3A_821, %dma_start3A_822] : memref<1000000x64xf32, #tpu.memory_space<hbm>> -> memref<1000000x64xf32, #tpu.memory_space<hbm>>
      tpu.enqueue_indirect_dma source(%dma_start3A_823 : memref<1000000x64xf32, #tpu.memory_space<hbm>>) target(%dma_start3A_817 : memref<128x64xf32, #tpu.memory_space<vmem>>) offsets(%dma_start3A_820 : memref<128xi32, #tpu.memory_space<vmem>>) semaphore(%arg7 : memref<!tpu.dma_semaphore, #tpu.memory_space<semaphore_mem>>)
      %add3A_824 = arith.constant 1 : i32
      %add3A_825 = arith.addi %add3A_662, %add3A_824 : i32
      %mul3A_826 = arith.constant 4 : i32
      %mul3A_827 = arith.muli %add3A_825, %mul3A_826 : i32
      %add3A_828 = arith.constant 0 : i32
      %add3A_829 = arith.addi %mul3A_827, %add3A_828 : i32
      %mul3A_830 = arith.constant 4 : i32
      %mul3A_831 = arith.muli %add3A_825, %mul3A_830 : i32
      %add3A_832 = arith.constant 1 : i32
      %add3A_833 = arith.addi %mul3A_831, %add3A_832 : i32
      %mul3A_834 = arith.constant 4 : i32
      %mul3A_835 = arith.muli %add3A_825, %mul3A_834 : i32
      %add3A_836 = arith.constant 2 : i32
      %add3A_837 = arith.addi %mul3A_835, %add3A_836 : i32
      %mul3A_838 = arith.constant 4 : i32
      %mul3A_839 = arith.muli %add3A_825, %mul3A_838 : i32
      %add3A_840 = arith.constant 3 : i32
      %add3A_841 = arith.addi %mul3A_839, %add3A_840 : i32
      %dma_wait3A_842 = arith.constant 2 : i32
      %dma_wait3A_843 = arith.constant 0 : i32
      %dma_wait3A_844 = arith.constant 0 : i32
      %dma_wait3A_845 = tpu.memref_slice %arg6[%dma_wait3A_842, %dma_wait3A_843, %dma_wait3A_844] : memref<3x512x64xf32, #tpu.memory_space<vmem>> -> memref<1x128x64xf32, #tpu.memory_space<vmem>>
      %dma_wait3A_846 = tpu.memref_squeeze %dma_wait3A_845 : memref<1x128x64xf32, #tpu.memory_space<vmem>> -> memref<128x64xf32, #tpu.memory_space<vmem>>
      %dma_wait3A_847 = arith.constant 0 : i32
      %dma_wait3A_848 = tpu.memref_slice %arg5[%add3A_829, %dma_wait3A_847] : memref<200x128xi32, #tpu.memory_space<vmem>> -> memref<1x128xi32, #tpu.memory_space<vmem>>
      %dma_wait3A_849 = tpu.memref_squeeze %dma_wait3A_848 : memref<1x128xi32, #tpu.memory_space<vmem>> -> memref<128xi32, #tpu.memory_space<vmem>>
      %dma_wait3A_850 = arith.constant 0 : i32
      %dma_wait3A_851 = arith.constant 0 : i32
      %dma_wait3A_852 = tpu.memref_slice %arg3[%dma_wait3A_850, %dma_wait3A_851] : memref<1000000x64xf32, #tpu.memory_space<hbm>> -> memref<1000000x64xf32, #tpu.memory_space<hbm>>
      tpu.wait_indirect_dma semaphore(%arg9 : memref<!tpu.dma_semaphore, #tpu.memory_space<semaphore_mem>>) src(%dma_wait3A_852 : memref<1000000x64xf32, #tpu.memory_space<hbm>>) dst(%dma_wait3A_846 : memref<128x64xf32, #tpu.memory_space<vmem>>)
      %dma_wait3A_853 = arith.constant 2 : i32
      %dma_wait3A_854 = arith.constant 128 : i32
      %dma_wait3A_855 = arith.constant 0 : i32
      %dma_wait3A_856 = tpu.memref_slice %arg6[%dma_wait3A_853, %dma_wait3A_854, %dma_wait3A_855] : memref<3x512x64xf32, #tpu.memory_space<vmem>> -> memref<1x128x64xf32, #tpu.memory_space<vmem>>
      %dma_wait3A_857 = tpu.memref_squeeze %dma_wait3A_856 : memref<1x128x64xf32, #tpu.memory_space<vmem>> -> memref<128x64xf32, #tpu.memory_space<vmem>>
      %dma_wait3A_858 = arith.constant 0 : i32
      %dma_wait3A_859 = tpu.memref_slice %arg5[%add3A_833, %dma_wait3A_858] : memref<200x128xi32, #tpu.memory_space<vmem>> -> memref<1x128xi32, #tpu.memory_space<vmem>>
      %dma_wait3A_860 = tpu.memref_squeeze %dma_wait3A_859 : memref<1x128xi32, #tpu.memory_space<vmem>> -> memref<128xi32, #tpu.memory_space<vmem>>
      %dma_wait3A_861 = arith.constant 0 : i32
      %dma_wait3A_862 = arith.constant 0 : i32
      %dma_wait3A_863 = tpu.memref_slice %arg3[%dma_wait3A_861, %dma_wait3A_862] : memref<1000000x64xf32, #tpu.memory_space<hbm>> -> memref<1000000x64xf32, #tpu.memory_space<hbm>>
      tpu.wait_indirect_dma semaphore(%arg9 : memref<!tpu.dma_semaphore, #tpu.memory_space<semaphore_mem>>) src(%dma_wait3A_863 : memref<1000000x64xf32, #tpu.memory_space<hbm>>) dst(%dma_wait3A_857 : memref<128x64xf32, #tpu.memory_space<vmem>>)
      %dma_wait3A_864 = arith.constant 2 : i32
      %dma_wait3A_865 = arith.constant 256 : i32
      %dma_wait3A_866 = arith.constant 0 : i32
      %dma_wait3A_867 = tpu.memref_slice %arg6[%dma_wait3A_864, %dma_wait3A_865, %dma_wait3A_866] : memref<3x512x64xf32, #tpu.memory_space<vmem>> -> memref<1x128x64xf32, #tpu.memory_space<vmem>>
      %dma_wait3A_868 = tpu.memref_squeeze %dma_wait3A_867 : memref<1x128x64xf32, #tpu.memory_space<vmem>> -> memref<128x64xf32, #tpu.memory_space<vmem>>
      %dma_wait3A_869 = arith.constant 0 : i32
      %dma_wait3A_870 = tpu.memref_slice %arg5[%add3A_837, %dma_wait3A_869] : memref<200x128xi32, #tpu.memory_space<vmem>> -> memref<1x128xi32, #tpu.memory_space<vmem>>
      %dma_wait3A_871 = tpu.memref_squeeze %dma_wait3A_870 : memref<1x128xi32, #tpu.memory_space<vmem>> -> memref<128xi32, #tpu.memory_space<vmem>>
      %dma_wait3A_872 = arith.constant 0 : i32
      %dma_wait3A_873 = arith.constant 0 : i32
      %dma_wait3A_874 = tpu.memref_slice %arg3[%dma_wait3A_872, %dma_wait3A_873] : memref<1000000x64xf32, #tpu.memory_space<hbm>> -> memref<1000000x64xf32, #tpu.memory_space<hbm>>
      tpu.wait_indirect_dma semaphore(%arg9 : memref<!tpu.dma_semaphore, #tpu.memory_space<semaphore_mem>>) src(%dma_wait3A_874 : memref<1000000x64xf32, #tpu.memory_space<hbm>>) dst(%dma_wait3A_868 : memref<128x64xf32, #tpu.memory_space<vmem>>)
      %dma_wait3A_875 = arith.constant 2 : i32
      %dma_wait3A_876 = arith.constant 384 : i32
      %dma_wait3A_877 = arith.constant 0 : i32
      %dma_wait3A_878 = tpu.memref_slice %arg6[%dma_wait3A_875, %dma_wait3A_876, %dma_wait3A_877] : memref<3x512x64xf32, #tpu.memory_space<vmem>> -> memref<1x128x64xf32, #tpu.memory_space<vmem>>
      %dma_wait3A_879 = tpu.memref_squeeze %dma_wait3A_878 : memref<1x128x64xf32, #tpu.memory_space<vmem>> -> memref<128x64xf32, #tpu.memory_space<vmem>>
      %dma_wait3A_880 = arith.constant 0 : i32
      %dma_wait3A_881 = tpu.memref_slice %arg5[%add3A_841, %dma_wait3A_880] : memref<200x128xi32, #tpu.memory_space<vmem>> -> memref<1x128xi32, #tpu.memory_space<vmem>>
      %dma_wait3A_882 = tpu.memref_squeeze %dma_wait3A_881 : memref<1x128xi32, #tpu.memory_space<vmem>> -> memref<128xi32, #tpu.memory_space<vmem>>
      %dma_wait3A_883 = arith.constant 0 : i32
      %dma_wait3A_884 = arith.constant 0 : i32
      %dma_wait3A_885 = tpu.memref_slice %arg3[%dma_wait3A_883, %dma_wait3A_884] : memref<1000000x64xf32, #tpu.memory_space<hbm>> -> memref<1000000x64xf32, #tpu.memory_space<hbm>>
      tpu.wait_indirect_dma semaphore(%arg9 : memref<!tpu.dma_semaphore, #tpu.memory_space<semaphore_mem>>) src(%dma_wait3A_885 : memref<1000000x64xf32, #tpu.memory_space<hbm>>) dst(%dma_wait3A_879 : memref<128x64xf32, #tpu.memory_space<vmem>>)
      %mul3A_886 = arith.constant 4 : i32
      %mul3A_887 = arith.muli %add3A_825, %mul3A_886 : i32
      %add3A_888 = arith.addi %mul3A_2, %mul3A_887 : i32
      %mul3A_889 = arith.constant 128 : i32
      %mul3A_890 = arith.muli %add3A_888, %mul3A_889 : i32
      %dma_start3A_891 = arith.constant 2 : i32
      %dma_start3A_892 = arith.constant 0 : i32
      %dma_start3A_893 = arith.constant 0 : i32
      %dma_start3A_894 = tpu.memref_slice %arg6[%dma_start3A_891, %dma_start3A_892, %dma_start3A_893] : memref<3x512x64xf32, #tpu.memory_space<vmem>> -> memref<1x512x64xf32, #tpu.memory_space<vmem>>
      %dma_start3A_895 = tpu.memref_squeeze %dma_start3A_894 : memref<1x512x64xf32, #tpu.memory_space<vmem>> -> memref<512x64xf32, #tpu.memory_space<vmem>>
      %dma_start3A_896 = arith.constant 0 : i32
      %dma_start3A_897 = tpu.memref_slice %arg4[%mul3A_890, %dma_start3A_896] : memref<819200x64xf32, #tpu.memory_space<hbm>> -> memref<512x64xf32, #tpu.memory_space<hbm>>
      %dma_start3A_898 = arith.constant 0 : i32
      %dma_start3A_899 = tpu.memref_slice %arg4[%mul3A_890, %dma_start3A_898] : memref<819200x64xf32, #tpu.memory_space<hbm>> -> memref<512x64xf32, #tpu.memory_space<hbm>>
      %dma_start3A_900 = arith.constant 0 : i32
      %dma_start3A_901 = arith.constant 0 : i32
      %dma_start3A_902 = tpu.memref_slice %arg6[%dma_start3A_891, %dma_start3A_900, %dma_start3A_901] : memref<3x512x64xf32, #tpu.memory_space<vmem>> -> memref<1x512x64xf32, #tpu.memory_space<vmem>>
      %dma_start3A_903 = tpu.memref_squeeze %dma_start3A_902 : memref<1x512x64xf32, #tpu.memory_space<vmem>> -> memref<512x64xf32, #tpu.memory_space<vmem>>
      tpu.enqueue_dma source(%dma_start3A_903 : memref<512x64xf32, #tpu.memory_space<vmem>>) target(%dma_start3A_899 : memref<512x64xf32, #tpu.memory_space<hbm>>) target_semaphore(%arg12 : memref<!tpu.dma_semaphore, #tpu.memory_space<semaphore_mem>>)
      %sub3A_904 = arith.constant 1 : i32
      %sub3A_905 = arith.subi %add3A_825, %sub3A_904 : i32
      %mul3A_906 = arith.constant 4 : i32
      %mul3A_907 = arith.muli %sub3A_905, %mul3A_906 : i32
      %add3A_908 = arith.addi %mul3A_2, %mul3A_907 : i32
      %mul3A_909 = arith.constant 128 : i32
      %mul3A_910 = arith.muli %add3A_908, %mul3A_909 : i32
      %dma_wait3A_911 = arith.constant 1 : i32
      %dma_wait3A_912 = arith.constant 0 : i32
      %dma_wait3A_913 = arith.constant 0 : i32
      %dma_wait3A_914 = tpu.memref_slice %arg6[%dma_wait3A_911, %dma_wait3A_912, %dma_wait3A_913] : memref<3x512x64xf32, #tpu.memory_space<vmem>> -> memref<1x512x64xf32, #tpu.memory_space<vmem>>
      %dma_wait3A_915 = tpu.memref_squeeze %dma_wait3A_914 : memref<1x512x64xf32, #tpu.memory_space<vmem>> -> memref<512x64xf32, #tpu.memory_space<vmem>>
      %dma_wait3A_916 = arith.constant 0 : i32
      %dma_wait3A_917 = tpu.memref_slice %arg4[%mul3A_910, %dma_wait3A_916] : memref<819200x64xf32, #tpu.memory_space<hbm>> -> memref<512x64xf32, #tpu.memory_space<hbm>>
      %dma_wait3A_918 = arith.constant 0 : i32
      %dma_wait3A_919 = tpu.memref_slice %arg4[%mul3A_910, %dma_wait3A_918] : memref<819200x64xf32, #tpu.memory_space<hbm>> -> memref<512x64xf32, #tpu.memory_space<hbm>>
      %dma_wait3A_920 = arith.constant 0 : i32
      %dma_wait3A_921 = arith.constant 0 : i32
      %dma_wait3A_922 = tpu.memref_slice %arg6[%dma_wait3A_911, %dma_wait3A_920, %dma_wait3A_921] : memref<3x512x64xf32, #tpu.memory_space<vmem>> -> memref<1x512x64xf32, #tpu.memory_space<vmem>>
      %dma_wait3A_923 = tpu.memref_squeeze %dma_wait3A_922 : memref<1x512x64xf32, #tpu.memory_space<vmem>> -> memref<512x64xf32, #tpu.memory_space<vmem>>
      tpu.wait_dma2 semaphore(%arg11 : memref<!tpu.dma_semaphore, #tpu.memory_space<semaphore_mem>>) src(%dma_wait3A_923 : memref<512x64xf32, #tpu.memory_space<vmem>>) dst(%dma_wait3A_919 : memref<512x64xf32, #tpu.memory_space<hbm>>)
      %add3A_924 = arith.constant 2 : i32
      %add3A_925 = arith.addi %add3A_825, %add3A_924 : i32
      %mul3A_926 = arith.constant 4 : i32
      %mul3A_927 = arith.muli %add3A_925, %mul3A_926 : i32
      %add3A_928 = arith.constant 0 : i32
      %add3A_929 = arith.addi %mul3A_927, %add3A_928 : i32
      %mul3A_930 = arith.constant 4 : i32
      %mul3A_931 = arith.muli %add3A_925, %mul3A_930 : i32
      %add3A_932 = arith.constant 1 : i32
      %add3A_933 = arith.addi %mul3A_931, %add3A_932 : i32
      %mul3A_934 = arith.constant 4 : i32
      %mul3A_935 = arith.muli %add3A_925, %mul3A_934 : i32
      %add3A_936 = arith.constant 2 : i32
      %add3A_937 = arith.addi %mul3A_935, %add3A_936 : i32
      %mul3A_938 = arith.constant 4 : i32
      %mul3A_939 = arith.muli %add3A_925, %mul3A_938 : i32
      %add3A_940 = arith.constant 3 : i32
      %add3A_941 = arith.addi %mul3A_939, %add3A_940 : i32
      %dma_start3A_942 = arith.constant 1 : i32
      %dma_start3A_943 = arith.constant 0 : i32
      %dma_start3A_944 = arith.constant 0 : i32
      %dma_start3A_945 = tpu.memref_slice %arg6[%dma_start3A_942, %dma_start3A_943, %dma_start3A_944] : memref<3x512x64xf32, #tpu.memory_space<vmem>> -> memref<1x128x64xf32, #tpu.memory_space<vmem>>
      %dma_start3A_946 = tpu.memref_squeeze %dma_start3A_945 : memref<1x128x64xf32, #tpu.memory_space<vmem>> -> memref<128x64xf32, #tpu.memory_space<vmem>>
      %dma_start3A_947 = arith.constant 0 : i32
      %dma_start3A_948 = tpu.memref_slice %arg5[%add3A_929, %dma_start3A_947] : memref<200x128xi32, #tpu.memory_space<vmem>> -> memref<1x128xi32, #tpu.memory_space<vmem>>
      %dma_start3A_949 = tpu.memref_squeeze %dma_start3A_948 : memref<1x128xi32, #tpu.memory_space<vmem>> -> memref<128xi32, #tpu.memory_space<vmem>>
      %dma_start3A_950 = arith.constant 0 : i32
      %dma_start3A_951 = arith.constant 0 : i32
      %dma_start3A_952 = tpu.memref_slice %arg3[%dma_start3A_950, %dma_start3A_951] : memref<1000000x64xf32, #tpu.memory_space<hbm>> -> memref<1000000x64xf32, #tpu.memory_space<hbm>>
      tpu.enqueue_indirect_dma source(%dma_start3A_952 : memref<1000000x64xf32, #tpu.memory_space<hbm>>) target(%dma_start3A_946 : memref<128x64xf32, #tpu.memory_space<vmem>>) offsets(%dma_start3A_949 : memref<128xi32, #tpu.memory_space<vmem>>) semaphore(%arg8 : memref<!tpu.dma_semaphore, #tpu.memory_space<semaphore_mem>>)
      %dma_start3A_953 = arith.constant 1 : i32
      %dma_start3A_954 = arith.constant 128 : i32
      %dma_start3A_955 = arith.constant 0 : i32
      %dma_start3A_956 = tpu.memref_slice %arg6[%dma_start3A_953, %dma_start3A_954, %dma_start3A_955] : memref<3x512x64xf32, #tpu.memory_space<vmem>> -> memref<1x128x64xf32, #tpu.memory_space<vmem>>
      %dma_start3A_957 = tpu.memref_squeeze %dma_start3A_956 : memref<1x128x64xf32, #tpu.memory_space<vmem>> -> memref<128x64xf32, #tpu.memory_space<vmem>>
      %dma_start3A_958 = arith.constant 0 : i32
      %dma_start3A_959 = tpu.memref_slice %arg5[%add3A_933, %dma_start3A_958] : memref<200x128xi32, #tpu.memory_space<vmem>> -> memref<1x128xi32, #tpu.memory_space<vmem>>
      %dma_start3A_960 = tpu.memref_squeeze %dma_start3A_959 : memref<1x128xi32, #tpu.memory_space<vmem>> -> memref<128xi32, #tpu.memory_space<vmem>>
      %dma_start3A_961 = arith.constant 0 : i32
      %dma_start3A_962 = arith.constant 0 : i32
      %dma_start3A_963 = tpu.memref_slice %arg3[%dma_start3A_961, %dma_start3A_962] : memref<1000000x64xf32, #tpu.memory_space<hbm>> -> memref<1000000x64xf32, #tpu.memory_space<hbm>>
      tpu.enqueue_indirect_dma source(%dma_start3A_963 : memref<1000000x64xf32, #tpu.memory_space<hbm>>) target(%dma_start3A_957 : memref<128x64xf32, #tpu.memory_space<vmem>>) offsets(%dma_start3A_960 : memref<128xi32, #tpu.memory_space<vmem>>) semaphore(%arg8 : memref<!tpu.dma_semaphore, #tpu.memory_space<semaphore_mem>>)
      %dma_start3A_964 = arith.constant 1 : i32
      %dma_start3A_965 = arith.constant 256 : i32
      %dma_start3A_966 = arith.constant 0 : i32
      %dma_start3A_967 = tpu.memref_slice %arg6[%dma_start3A_964, %dma_start3A_965, %dma_start3A_966] : memref<3x512x64xf32, #tpu.memory_space<vmem>> -> memref<1x128x64xf32, #tpu.memory_space<vmem>>
      %dma_start3A_968 = tpu.memref_squeeze %dma_start3A_967 : memref<1x128x64xf32, #tpu.memory_space<vmem>> -> memref<128x64xf32, #tpu.memory_space<vmem>>
      %dma_start3A_969 = arith.constant 0 : i32
      %dma_start3A_970 = tpu.memref_slice %arg5[%add3A_937, %dma_start3A_969] : memref<200x128xi32, #tpu.memory_space<vmem>> -> memref<1x128xi32, #tpu.memory_space<vmem>>
      %dma_start3A_971 = tpu.memref_squeeze %dma_start3A_970 : memref<1x128xi32, #tpu.memory_space<vmem>> -> memref<128xi32, #tpu.memory_space<vmem>>
      %dma_start3A_972 = arith.constant 0 : i32
      %dma_start3A_973 = arith.constant 0 : i32
      %dma_start3A_974 = tpu.memref_slice %arg3[%dma_start3A_972, %dma_start3A_973] : memref<1000000x64xf32, #tpu.memory_space<hbm>> -> memref<1000000x64xf32, #tpu.memory_space<hbm>>
      tpu.enqueue_indirect_dma source(%dma_start3A_974 : memref<1000000x64xf32, #tpu.memory_space<hbm>>) target(%dma_start3A_968 : memref<128x64xf32, #tpu.memory_space<vmem>>) offsets(%dma_start3A_971 : memref<128xi32, #tpu.memory_space<vmem>>) semaphore(%arg8 : memref<!tpu.dma_semaphore, #tpu.memory_space<semaphore_mem>>)
      %dma_start3A_975 = arith.constant 1 : i32
      %dma_start3A_976 = arith.constant 384 : i32
      %dma_start3A_977 = arith.constant 0 : i32
      %dma_start3A_978 = tpu.memref_slice %arg6[%dma_start3A_975, %dma_start3A_976, %dma_start3A_977] : memref<3x512x64xf32, #tpu.memory_space<vmem>> -> memref<1x128x64xf32, #tpu.memory_space<vmem>>
      %dma_start3A_979 = tpu.memref_squeeze %dma_start3A_978 : memref<1x128x64xf32, #tpu.memory_space<vmem>> -> memref<128x64xf32, #tpu.memory_space<vmem>>
      %dma_start3A_980 = arith.constant 0 : i32
      %dma_start3A_981 = tpu.memref_slice %arg5[%add3A_941, %dma_start3A_980] : memref<200x128xi32, #tpu.memory_space<vmem>> -> memref<1x128xi32, #tpu.memory_space<vmem>>
      %dma_start3A_982 = tpu.memref_squeeze %dma_start3A_981 : memref<1x128xi32, #tpu.memory_space<vmem>> -> memref<128xi32, #tpu.memory_space<vmem>>
      %dma_start3A_983 = arith.constant 0 : i32
      %dma_start3A_984 = arith.constant 0 : i32
      %dma_start3A_985 = tpu.memref_slice %arg3[%dma_start3A_983, %dma_start3A_984] : memref<1000000x64xf32, #tpu.memory_space<hbm>> -> memref<1000000x64xf32, #tpu.memory_space<hbm>>
      tpu.enqueue_indirect_dma source(%dma_start3A_985 : memref<1000000x64xf32, #tpu.memory_space<hbm>>) target(%dma_start3A_979 : memref<128x64xf32, #tpu.memory_space<vmem>>) offsets(%dma_start3A_982 : memref<128xi32, #tpu.memory_space<vmem>>) semaphore(%arg8 : memref<!tpu.dma_semaphore, #tpu.memory_space<semaphore_mem>>)
      %add3A_986 = arith.constant 2 : i32
      %add3A_987 = arith.addi %add3A_662, %add3A_986 : i32
      %mul3A_988 = arith.constant 4 : i32
      %mul3A_989 = arith.muli %add3A_987, %mul3A_988 : i32
      %add3A_990 = arith.constant 0 : i32
      %add3A_991 = arith.addi %mul3A_989, %add3A_990 : i32
      %mul3A_992 = arith.constant 4 : i32
      %mul3A_993 = arith.muli %add3A_987, %mul3A_992 : i32
      %add3A_994 = arith.constant 1 : i32
      %add3A_995 = arith.addi %mul3A_993, %add3A_994 : i32
      %mul3A_996 = arith.constant 4 : i32
      %mul3A_997 = arith.muli %add3A_987, %mul3A_996 : i32
      %add3A_998 = arith.constant 2 : i32
      %add3A_999 = arith.addi %mul3A_997, %add3A_998 : i32
      %mul3A_1000 = arith.constant 4 : i32
      %mul3A_1001 = arith.muli %add3A_987, %mul3A_1000 : i32
      %add3A_1002 = arith.constant 3 : i32
      %add3A_1003 = arith.addi %mul3A_1001, %add3A_1002 : i32
      %dma_wait3A_1004 = arith.constant 0 : i32
      %dma_wait3A_1005 = arith.constant 0 : i32
      %dma_wait3A_1006 = arith.constant 0 : i32
      %dma_wait3A_1007 = tpu.memref_slice %arg6[%dma_wait3A_1004, %dma_wait3A_1005, %dma_wait3A_1006] : memref<3x512x64xf32, #tpu.memory_space<vmem>> -> memref<1x128x64xf32, #tpu.memory_space<vmem>>
      %dma_wait3A_1008 = tpu.memref_squeeze %dma_wait3A_1007 : memref<1x128x64xf32, #tpu.memory_space<vmem>> -> memref<128x64xf32, #tpu.memory_space<vmem>>
      %dma_wait3A_1009 = arith.constant 0 : i32
      %dma_wait3A_1010 = tpu.memref_slice %arg5[%add3A_991, %dma_wait3A_1009] : memref<200x128xi32, #tpu.memory_space<vmem>> -> memref<1x128xi32, #tpu.memory_space<vmem>>
      %dma_wait3A_1011 = tpu.memref_squeeze %dma_wait3A_1010 : memref<1x128xi32, #tpu.memory_space<vmem>> -> memref<128xi32, #tpu.memory_space<vmem>>
      %dma_wait3A_1012 = arith.constant 0 : i32
      %dma_wait3A_1013 = arith.constant 0 : i32
      %dma_wait3A_1014 = tpu.memref_slice %arg3[%dma_wait3A_1012, %dma_wait3A_1013] : memref<1000000x64xf32, #tpu.memory_space<hbm>> -> memref<1000000x64xf32, #tpu.memory_space<hbm>>
      tpu.wait_indirect_dma semaphore(%arg7 : memref<!tpu.dma_semaphore, #tpu.memory_space<semaphore_mem>>) src(%dma_wait3A_1014 : memref<1000000x64xf32, #tpu.memory_space<hbm>>) dst(%dma_wait3A_1008 : memref<128x64xf32, #tpu.memory_space<vmem>>)
      %dma_wait3A_1015 = arith.constant 0 : i32
      %dma_wait3A_1016 = arith.constant 128 : i32
      %dma_wait3A_1017 = arith.constant 0 : i32
      %dma_wait3A_1018 = tpu.memref_slice %arg6[%dma_wait3A_1015, %dma_wait3A_1016, %dma_wait3A_1017] : memref<3x512x64xf32, #tpu.memory_space<vmem>> -> memref<1x128x64xf32, #tpu.memory_space<vmem>>
      %dma_wait3A_1019 = tpu.memref_squeeze %dma_wait3A_1018 : memref<1x128x64xf32, #tpu.memory_space<vmem>> -> memref<128x64xf32, #tpu.memory_space<vmem>>
      %dma_wait3A_1020 = arith.constant 0 : i32
      %dma_wait3A_1021 = tpu.memref_slice %arg5[%add3A_995, %dma_wait3A_1020] : memref<200x128xi32, #tpu.memory_space<vmem>> -> memref<1x128xi32, #tpu.memory_space<vmem>>
      %dma_wait3A_1022 = tpu.memref_squeeze %dma_wait3A_1021 : memref<1x128xi32, #tpu.memory_space<vmem>> -> memref<128xi32, #tpu.memory_space<vmem>>
      %dma_wait3A_1023 = arith.constant 0 : i32
      %dma_wait3A_1024 = arith.constant 0 : i32
      %dma_wait3A_1025 = tpu.memref_slice %arg3[%dma_wait3A_1023, %dma_wait3A_1024] : memref<1000000x64xf32, #tpu.memory_space<hbm>> -> memref<1000000x64xf32, #tpu.memory_space<hbm>>
      tpu.wait_indirect_dma semaphore(%arg7 : memref<!tpu.dma_semaphore, #tpu.memory_space<semaphore_mem>>) src(%dma_wait3A_1025 : memref<1000000x64xf32, #tpu.memory_space<hbm>>) dst(%dma_wait3A_1019 : memref<128x64xf32, #tpu.memory_space<vmem>>)
      %dma_wait3A_1026 = arith.constant 0 : i32
      %dma_wait3A_1027 = arith.constant 256 : i32
      %dma_wait3A_1028 = arith.constant 0 : i32
      %dma_wait3A_1029 = tpu.memref_slice %arg6[%dma_wait3A_1026, %dma_wait3A_1027, %dma_wait3A_1028] : memref<3x512x64xf32, #tpu.memory_space<vmem>> -> memref<1x128x64xf32, #tpu.memory_space<vmem>>
      %dma_wait3A_1030 = tpu.memref_squeeze %dma_wait3A_1029 : memref<1x128x64xf32, #tpu.memory_space<vmem>> -> memref<128x64xf32, #tpu.memory_space<vmem>>
      %dma_wait3A_1031 = arith.constant 0 : i32
      %dma_wait3A_1032 = tpu.memref_slice %arg5[%add3A_999, %dma_wait3A_1031] : memref<200x128xi32, #tpu.memory_space<vmem>> -> memref<1x128xi32, #tpu.memory_space<vmem>>
      %dma_wait3A_1033 = tpu.memref_squeeze %dma_wait3A_1032 : memref<1x128xi32, #tpu.memory_space<vmem>> -> memref<128xi32, #tpu.memory_space<vmem>>
      %dma_wait3A_1034 = arith.constant 0 : i32
      %dma_wait3A_1035 = arith.constant 0 : i32
      %dma_wait3A_1036 = tpu.memref_slice %arg3[%dma_wait3A_1034, %dma_wait3A_1035] : memref<1000000x64xf32, #tpu.memory_space<hbm>> -> memref<1000000x64xf32, #tpu.memory_space<hbm>>
      tpu.wait_indirect_dma semaphore(%arg7 : memref<!tpu.dma_semaphore, #tpu.memory_space<semaphore_mem>>) src(%dma_wait3A_1036 : memref<1000000x64xf32, #tpu.memory_space<hbm>>) dst(%dma_wait3A_1030 : memref<128x64xf32, #tpu.memory_space<vmem>>)
      %dma_wait3A_1037 = arith.constant 0 : i32
      %dma_wait3A_1038 = arith.constant 384 : i32
      %dma_wait3A_1039 = arith.constant 0 : i32
      %dma_wait3A_1040 = tpu.memref_slice %arg6[%dma_wait3A_1037, %dma_wait3A_1038, %dma_wait3A_1039] : memref<3x512x64xf32, #tpu.memory_space<vmem>> -> memref<1x128x64xf32, #tpu.memory_space<vmem>>
      %dma_wait3A_1041 = tpu.memref_squeeze %dma_wait3A_1040 : memref<1x128x64xf32, #tpu.memory_space<vmem>> -> memref<128x64xf32, #tpu.memory_space<vmem>>
      %dma_wait3A_1042 = arith.constant 0 : i32
      %dma_wait3A_1043 = tpu.memref_slice %arg5[%add3A_1003, %dma_wait3A_1042] : memref<200x128xi32, #tpu.memory_space<vmem>> -> memref<1x128xi32, #tpu.memory_space<vmem>>
      %dma_wait3A_1044 = tpu.memref_squeeze %dma_wait3A_1043 : memref<1x128xi32, #tpu.memory_space<vmem>> -> memref<128xi32, #tpu.memory_space<vmem>>
      %dma_wait3A_1045 = arith.constant 0 : i32
      %dma_wait3A_1046 = arith.constant 0 : i32
      %dma_wait3A_1047 = tpu.memref_slice %arg3[%dma_wait3A_1045, %dma_wait3A_1046] : memref<1000000x64xf32, #tpu.memory_space<hbm>> -> memref<1000000x64xf32, #tpu.memory_space<hbm>>
      tpu.wait_indirect_dma semaphore(%arg7 : memref<!tpu.dma_semaphore, #tpu.memory_space<semaphore_mem>>) src(%dma_wait3A_1047 : memref<1000000x64xf32, #tpu.memory_space<hbm>>) dst(%dma_wait3A_1041 : memref<128x64xf32, #tpu.memory_space<vmem>>)
      %mul3A_1048 = arith.constant 4 : i32
      %mul3A_1049 = arith.muli %add3A_987, %mul3A_1048 : i32
      %add3A_1050 = arith.addi %mul3A_2, %mul3A_1049 : i32
      %mul3A_1051 = arith.constant 128 : i32
      %mul3A_1052 = arith.muli %add3A_1050, %mul3A_1051 : i32
      %dma_start3A_1053 = arith.constant 0 : i32
      %dma_start3A_1054 = arith.constant 0 : i32
      %dma_start3A_1055 = arith.constant 0 : i32
      %dma_start3A_1056 = tpu.memref_slice %arg6[%dma_start3A_1053, %dma_start3A_1054, %dma_start3A_1055] : memref<3x512x64xf32, #tpu.memory_space<vmem>> -> memref<1x512x64xf32, #tpu.memory_space<vmem>>
      %dma_start3A_1057 = tpu.memref_squeeze %dma_start3A_1056 : memref<1x512x64xf32, #tpu.memory_space<vmem>> -> memref<512x64xf32, #tpu.memory_space<vmem>>
      %dma_start3A_1058 = arith.constant 0 : i32
      %dma_start3A_1059 = tpu.memref_slice %arg4[%mul3A_1052, %dma_start3A_1058] : memref<819200x64xf32, #tpu.memory_space<hbm>> -> memref<512x64xf32, #tpu.memory_space<hbm>>
      %dma_start3A_1060 = arith.constant 0 : i32
      %dma_start3A_1061 = tpu.memref_slice %arg4[%mul3A_1052, %dma_start3A_1060] : memref<819200x64xf32, #tpu.memory_space<hbm>> -> memref<512x64xf32, #tpu.memory_space<hbm>>
      %dma_start3A_1062 = arith.constant 0 : i32
      %dma_start3A_1063 = arith.constant 0 : i32
      %dma_start3A_1064 = tpu.memref_slice %arg6[%dma_start3A_1053, %dma_start3A_1062, %dma_start3A_1063] : memref<3x512x64xf32, #tpu.memory_space<vmem>> -> memref<1x512x64xf32, #tpu.memory_space<vmem>>
      %dma_start3A_1065 = tpu.memref_squeeze %dma_start3A_1064 : memref<1x512x64xf32, #tpu.memory_space<vmem>> -> memref<512x64xf32, #tpu.memory_space<vmem>>
      tpu.enqueue_dma source(%dma_start3A_1065 : memref<512x64xf32, #tpu.memory_space<vmem>>) target(%dma_start3A_1061 : memref<512x64xf32, #tpu.memory_space<hbm>>) target_semaphore(%arg10 : memref<!tpu.dma_semaphore, #tpu.memory_space<semaphore_mem>>)
      %sub3A_1066 = arith.constant 1 : i32
      %sub3A_1067 = arith.subi %add3A_987, %sub3A_1066 : i32
      %mul3A_1068 = arith.constant 4 : i32
      %mul3A_1069 = arith.muli %sub3A_1067, %mul3A_1068 : i32
      %add3A_1070 = arith.addi %mul3A_2, %mul3A_1069 : i32
      %mul3A_1071 = arith.constant 128 : i32
      %mul3A_1072 = arith.muli %add3A_1070, %mul3A_1071 : i32
      %dma_wait3A_1073 = arith.constant 2 : i32
      %dma_wait3A_1074 = arith.constant 0 : i32
      %dma_wait3A_1075 = arith.constant 0 : i32
      %dma_wait3A_1076 = tpu.memref_slice %arg6[%dma_wait3A_1073, %dma_wait3A_1074, %dma_wait3A_1075] : memref<3x512x64xf32, #tpu.memory_space<vmem>> -> memref<1x512x64xf32, #tpu.memory_space<vmem>>
      %dma_wait3A_1077 = tpu.memref_squeeze %dma_wait3A_1076 : memref<1x512x64xf32, #tpu.memory_space<vmem>> -> memref<512x64xf32, #tpu.memory_space<vmem>>
      %dma_wait3A_1078 = arith.constant 0 : i32
      %dma_wait3A_1079 = tpu.memref_slice %arg4[%mul3A_1072, %dma_wait3A_1078] : memref<819200x64xf32, #tpu.memory_space<hbm>> -> memref<512x64xf32, #tpu.memory_space<hbm>>
      %dma_wait3A_1080 = arith.constant 0 : i32
      %dma_wait3A_1081 = tpu.memref_slice %arg4[%mul3A_1072, %dma_wait3A_1080] : memref<819200x64xf32, #tpu.memory_space<hbm>> -> memref<512x64xf32, #tpu.memory_space<hbm>>
      %dma_wait3A_1082 = arith.constant 0 : i32
      %dma_wait3A_1083 = arith.constant 0 : i32
      %dma_wait3A_1084 = tpu.memref_slice %arg6[%dma_wait3A_1073, %dma_wait3A_1082, %dma_wait3A_1083] : memref<3x512x64xf32, #tpu.memory_space<vmem>> -> memref<1x512x64xf32, #tpu.memory_space<vmem>>
      %dma_wait3A_1085 = tpu.memref_squeeze %dma_wait3A_1084 : memref<1x512x64xf32, #tpu.memory_space<vmem>> -> memref<512x64xf32, #tpu.memory_space<vmem>>
      tpu.wait_dma2 semaphore(%arg12 : memref<!tpu.dma_semaphore, #tpu.memory_space<semaphore_mem>>) src(%dma_wait3A_1085 : memref<512x64xf32, #tpu.memory_space<vmem>>) dst(%dma_wait3A_1081 : memref<512x64xf32, #tpu.memory_space<hbm>>)
      %add3A_1086 = arith.constant 2 : i32
      %add3A_1087 = arith.addi %add3A_987, %add3A_1086 : i32
      %mul3A_1088 = arith.constant 4 : i32
      %mul3A_1089 = arith.muli %add3A_1087, %mul3A_1088 : i32
      %add3A_1090 = arith.constant 0 : i32
      %add3A_1091 = arith.addi %mul3A_1089, %add3A_1090 : i32
      %mul3A_1092 = arith.constant 4 : i32
      %mul3A_1093 = arith.muli %add3A_1087, %mul3A_1092 : i32
      %add3A_1094 = arith.constant 1 : i32
      %add3A_1095 = arith.addi %mul3A_1093, %add3A_1094 : i32
      %mul3A_1096 = arith.constant 4 : i32
      %mul3A_1097 = arith.muli %add3A_1087, %mul3A_1096 : i32
      %add3A_1098 = arith.constant 2 : i32
      %add3A_1099 = arith.addi %mul3A_1097, %add3A_1098 : i32
      %mul3A_1100 = arith.constant 4 : i32
      %mul3A_1101 = arith.muli %add3A_1087, %mul3A_1100 : i32
      %add3A_1102 = arith.constant 3 : i32
      %add3A_1103 = arith.addi %mul3A_1101, %add3A_1102 : i32
      %dma_start3A_1104 = arith.constant 2 : i32
      %dma_start3A_1105 = arith.constant 0 : i32
      %dma_start3A_1106 = arith.constant 0 : i32
      %dma_start3A_1107 = tpu.memref_slice %arg6[%dma_start3A_1104, %dma_start3A_1105, %dma_start3A_1106] : memref<3x512x64xf32, #tpu.memory_space<vmem>> -> memref<1x128x64xf32, #tpu.memory_space<vmem>>
      %dma_start3A_1108 = tpu.memref_squeeze %dma_start3A_1107 : memref<1x128x64xf32, #tpu.memory_space<vmem>> -> memref<128x64xf32, #tpu.memory_space<vmem>>
      %dma_start3A_1109 = arith.constant 0 : i32
      %dma_start3A_1110 = tpu.memref_slice %arg5[%add3A_1091, %dma_start3A_1109] : memref<200x128xi32, #tpu.memory_space<vmem>> -> memref<1x128xi32, #tpu.memory_space<vmem>>
      %dma_start3A_1111 = tpu.memref_squeeze %dma_start3A_1110 : memref<1x128xi32, #tpu.memory_space<vmem>> -> memref<128xi32, #tpu.memory_space<vmem>>
      %dma_start3A_1112 = arith.constant 0 : i32
      %dma_start3A_1113 = arith.constant 0 : i32
      %dma_start3A_1114 = tpu.memref_slice %arg3[%dma_start3A_1112, %dma_start3A_1113] : memref<1000000x64xf32, #tpu.memory_space<hbm>> -> memref<1000000x64xf32, #tpu.memory_space<hbm>>
      tpu.enqueue_indirect_dma source(%dma_start3A_1114 : memref<1000000x64xf32, #tpu.memory_space<hbm>>) target(%dma_start3A_1108 : memref<128x64xf32, #tpu.memory_space<vmem>>) offsets(%dma_start3A_1111 : memref<128xi32, #tpu.memory_space<vmem>>) semaphore(%arg9 : memref<!tpu.dma_semaphore, #tpu.memory_space<semaphore_mem>>)
      %dma_start3A_1115 = arith.constant 2 : i32
      %dma_start3A_1116 = arith.constant 128 : i32
      %dma_start3A_1117 = arith.constant 0 : i32
      %dma_start3A_1118 = tpu.memref_slice %arg6[%dma_start3A_1115, %dma_start3A_1116, %dma_start3A_1117] : memref<3x512x64xf32, #tpu.memory_space<vmem>> -> memref<1x128x64xf32, #tpu.memory_space<vmem>>
      %dma_start3A_1119 = tpu.memref_squeeze %dma_start3A_1118 : memref<1x128x64xf32, #tpu.memory_space<vmem>> -> memref<128x64xf32, #tpu.memory_space<vmem>>
      %dma_start3A_1120 = arith.constant 0 : i32
      %dma_start3A_1121 = tpu.memref_slice %arg5[%add3A_1095, %dma_start3A_1120] : memref<200x128xi32, #tpu.memory_space<vmem>> -> memref<1x128xi32, #tpu.memory_space<vmem>>
      %dma_start3A_1122 = tpu.memref_squeeze %dma_start3A_1121 : memref<1x128xi32, #tpu.memory_space<vmem>> -> memref<128xi32, #tpu.memory_space<vmem>>
      %dma_start3A_1123 = arith.constant 0 : i32
      %dma_start3A_1124 = arith.constant 0 : i32
      %dma_start3A_1125 = tpu.memref_slice %arg3[%dma_start3A_1123, %dma_start3A_1124] : memref<1000000x64xf32, #tpu.memory_space<hbm>> -> memref<1000000x64xf32, #tpu.memory_space<hbm>>
      tpu.enqueue_indirect_dma source(%dma_start3A_1125 : memref<1000000x64xf32, #tpu.memory_space<hbm>>) target(%dma_start3A_1119 : memref<128x64xf32, #tpu.memory_space<vmem>>) offsets(%dma_start3A_1122 : memref<128xi32, #tpu.memory_space<vmem>>) semaphore(%arg9 : memref<!tpu.dma_semaphore, #tpu.memory_space<semaphore_mem>>)
      %dma_start3A_1126 = arith.constant 2 : i32
      %dma_start3A_1127 = arith.constant 256 : i32
      %dma_start3A_1128 = arith.constant 0 : i32
      %dma_start3A_1129 = tpu.memref_slice %arg6[%dma_start3A_1126, %dma_start3A_1127, %dma_start3A_1128] : memref<3x512x64xf32, #tpu.memory_space<vmem>> -> memref<1x128x64xf32, #tpu.memory_space<vmem>>
      %dma_start3A_1130 = tpu.memref_squeeze %dma_start3A_1129 : memref<1x128x64xf32, #tpu.memory_space<vmem>> -> memref<128x64xf32, #tpu.memory_space<vmem>>
      %dma_start3A_1131 = arith.constant 0 : i32
      %dma_start3A_1132 = tpu.memref_slice %arg5[%add3A_1099, %dma_start3A_1131] : memref<200x128xi32, #tpu.memory_space<vmem>> -> memref<1x128xi32, #tpu.memory_space<vmem>>
      %dma_start3A_1133 = tpu.memref_squeeze %dma_start3A_1132 : memref<1x128xi32, #tpu.memory_space<vmem>> -> memref<128xi32, #tpu.memory_space<vmem>>
      %dma_start3A_1134 = arith.constant 0 : i32
      %dma_start3A_1135 = arith.constant 0 : i32
      %dma_start3A_1136 = tpu.memref_slice %arg3[%dma_start3A_1134, %dma_start3A_1135] : memref<1000000x64xf32, #tpu.memory_space<hbm>> -> memref<1000000x64xf32, #tpu.memory_space<hbm>>
      tpu.enqueue_indirect_dma source(%dma_start3A_1136 : memref<1000000x64xf32, #tpu.memory_space<hbm>>) target(%dma_start3A_1130 : memref<128x64xf32, #tpu.memory_space<vmem>>) offsets(%dma_start3A_1133 : memref<128xi32, #tpu.memory_space<vmem>>) semaphore(%arg9 : memref<!tpu.dma_semaphore, #tpu.memory_space<semaphore_mem>>)
      %dma_start3A_1137 = arith.constant 2 : i32
      %dma_start3A_1138 = arith.constant 384 : i32
      %dma_start3A_1139 = arith.constant 0 : i32
      %dma_start3A_1140 = tpu.memref_slice %arg6[%dma_start3A_1137, %dma_start3A_1138, %dma_start3A_1139] : memref<3x512x64xf32, #tpu.memory_space<vmem>> -> memref<1x128x64xf32, #tpu.memory_space<vmem>>
      %dma_start3A_1141 = tpu.memref_squeeze %dma_start3A_1140 : memref<1x128x64xf32, #tpu.memory_space<vmem>> -> memref<128x64xf32, #tpu.memory_space<vmem>>
      %dma_start3A_1142 = arith.constant 0 : i32
      %dma_start3A_1143 = tpu.memref_slice %arg5[%add3A_1103, %dma_start3A_1142] : memref<200x128xi32, #tpu.memory_space<vmem>> -> memref<1x128xi32, #tpu.memory_space<vmem>>
      %dma_start3A_1144 = tpu.memref_squeeze %dma_start3A_1143 : memref<1x128xi32, #tpu.memory_space<vmem>> -> memref<128xi32, #tpu.memory_space<vmem>>
      %dma_start3A_1145 = arith.constant 0 : i32
      %dma_start3A_1146 = arith.constant 0 : i32
      %dma_start3A_1147 = tpu.memref_slice %arg3[%dma_start3A_1145, %dma_start3A_1146] : memref<1000000x64xf32, #tpu.memory_space<hbm>> -> memref<1000000x64xf32, #tpu.memory_space<hbm>>
      tpu.enqueue_indirect_dma source(%dma_start3A_1147 : memref<1000000x64xf32, #tpu.memory_space<hbm>>) target(%dma_start3A_1141 : memref<128x64xf32, #tpu.memory_space<vmem>>) offsets(%dma_start3A_1144 : memref<128xi32, #tpu.memory_space<vmem>>) semaphore(%arg9 : memref<!tpu.dma_semaphore, #tpu.memory_space<semaphore_mem>>)
      %scan3A_1148 = arith.constant 0 : i32
      scf.yield %scan3A_1148 : i32
    }
    %scan3A_215 = arith.constant 15 : i32
    %dma_wait3A_216 = arith.constant 184 : i32
    %dma_wait3A_217 = arith.constant 1 : i32
    %dma_wait3A_218 = arith.constant 0 : i32
    %dma_wait3A_219 = arith.constant 0 : i32
    %dma_wait3A_220 = tpu.memref_slice %arg6[%dma_wait3A_217, %dma_wait3A_218, %dma_wait3A_219] : memref<3x512x64xf32, #tpu.memory_space<vmem>> -> memref<1x128x64xf32, #tpu.memory_space<vmem>>
    %dma_wait3A_221 = tpu.memref_squeeze %dma_wait3A_220 : memref<1x128x64xf32, #tpu.memory_space<vmem>> -> memref<128x64xf32, #tpu.memory_space<vmem>>
    %dma_wait3A_222 = arith.constant 0 : i32
    %dma_wait3A_223 = tpu.memref_slice %arg5[%dma_wait3A_216, %dma_wait3A_222] : memref<200x128xi32, #tpu.memory_space<vmem>> -> memref<1x128xi32, #tpu.memory_space<vmem>>
    %dma_wait3A_224 = tpu.memref_squeeze %dma_wait3A_223 : memref<1x128xi32, #tpu.memory_space<vmem>> -> memref<128xi32, #tpu.memory_space<vmem>>
    %dma_wait3A_225 = arith.constant 0 : i32
    %dma_wait3A_226 = arith.constant 0 : i32
    %dma_wait3A_227 = tpu.memref_slice %arg3[%dma_wait3A_225, %dma_wait3A_226] : memref<1000000x64xf32, #tpu.memory_space<hbm>> -> memref<1000000x64xf32, #tpu.memory_space<hbm>>
    tpu.wait_indirect_dma semaphore(%arg8 : memref<!tpu.dma_semaphore, #tpu.memory_space<semaphore_mem>>) src(%dma_wait3A_227 : memref<1000000x64xf32, #tpu.memory_space<hbm>>) dst(%dma_wait3A_221 : memref<128x64xf32, #tpu.memory_space<vmem>>)
    %dma_wait3A_228 = arith.constant 185 : i32
    %dma_wait3A_229 = arith.constant 1 : i32
    %dma_wait3A_230 = arith.constant 128 : i32
    %dma_wait3A_231 = arith.constant 0 : i32
    %dma_wait3A_232 = tpu.memref_slice %arg6[%dma_wait3A_229, %dma_wait3A_230, %dma_wait3A_231] : memref<3x512x64xf32, #tpu.memory_space<vmem>> -> memref<1x128x64xf32, #tpu.memory_space<vmem>>
    %dma_wait3A_233 = tpu.memref_squeeze %dma_wait3A_232 : memref<1x128x64xf32, #tpu.memory_space<vmem>> -> memref<128x64xf32, #tpu.memory_space<vmem>>
    %dma_wait3A_234 = arith.constant 0 : i32
    %dma_wait3A_235 = tpu.memref_slice %arg5[%dma_wait3A_228, %dma_wait3A_234] : memref<200x128xi32, #tpu.memory_space<vmem>> -> memref<1x128xi32, #tpu.memory_space<vmem>>
    %dma_wait3A_236 = tpu.memref_squeeze %dma_wait3A_235 : memref<1x128xi32, #tpu.memory_space<vmem>> -> memref<128xi32, #tpu.memory_space<vmem>>
    %dma_wait3A_237 = arith.constant 0 : i32
    %dma_wait3A_238 = arith.constant 0 : i32
    %dma_wait3A_239 = tpu.memref_slice %arg3[%dma_wait3A_237, %dma_wait3A_238] : memref<1000000x64xf32, #tpu.memory_space<hbm>> -> memref<1000000x64xf32, #tpu.memory_space<hbm>>
    tpu.wait_indirect_dma semaphore(%arg8 : memref<!tpu.dma_semaphore, #tpu.memory_space<semaphore_mem>>) src(%dma_wait3A_239 : memref<1000000x64xf32, #tpu.memory_space<hbm>>) dst(%dma_wait3A_233 : memref<128x64xf32, #tpu.memory_space<vmem>>)
    %dma_wait3A_240 = arith.constant 186 : i32
    %dma_wait3A_241 = arith.constant 1 : i32
    %dma_wait3A_242 = arith.constant 256 : i32
    %dma_wait3A_243 = arith.constant 0 : i32
    %dma_wait3A_244 = tpu.memref_slice %arg6[%dma_wait3A_241, %dma_wait3A_242, %dma_wait3A_243] : memref<3x512x64xf32, #tpu.memory_space<vmem>> -> memref<1x128x64xf32, #tpu.memory_space<vmem>>
    %dma_wait3A_245 = tpu.memref_squeeze %dma_wait3A_244 : memref<1x128x64xf32, #tpu.memory_space<vmem>> -> memref<128x64xf32, #tpu.memory_space<vmem>>
    %dma_wait3A_246 = arith.constant 0 : i32
    %dma_wait3A_247 = tpu.memref_slice %arg5[%dma_wait3A_240, %dma_wait3A_246] : memref<200x128xi32, #tpu.memory_space<vmem>> -> memref<1x128xi32, #tpu.memory_space<vmem>>
    %dma_wait3A_248 = tpu.memref_squeeze %dma_wait3A_247 : memref<1x128xi32, #tpu.memory_space<vmem>> -> memref<128xi32, #tpu.memory_space<vmem>>
    %dma_wait3A_249 = arith.constant 0 : i32
    %dma_wait3A_250 = arith.constant 0 : i32
    %dma_wait3A_251 = tpu.memref_slice %arg3[%dma_wait3A_249, %dma_wait3A_250] : memref<1000000x64xf32, #tpu.memory_space<hbm>> -> memref<1000000x64xf32, #tpu.memory_space<hbm>>
    tpu.wait_indirect_dma semaphore(%arg8 : memref<!tpu.dma_semaphore, #tpu.memory_space<semaphore_mem>>) src(%dma_wait3A_251 : memref<1000000x64xf32, #tpu.memory_space<hbm>>) dst(%dma_wait3A_245 : memref<128x64xf32, #tpu.memory_space<vmem>>)
    %dma_wait3A_252 = arith.constant 187 : i32
    %dma_wait3A_253 = arith.constant 1 : i32
    %dma_wait3A_254 = arith.constant 384 : i32
    %dma_wait3A_255 = arith.constant 0 : i32
    %dma_wait3A_256 = tpu.memref_slice %arg6[%dma_wait3A_253, %dma_wait3A_254, %dma_wait3A_255] : memref<3x512x64xf32, #tpu.memory_space<vmem>> -> memref<1x128x64xf32, #tpu.memory_space<vmem>>
    %dma_wait3A_257 = tpu.memref_squeeze %dma_wait3A_256 : memref<1x128x64xf32, #tpu.memory_space<vmem>> -> memref<128x64xf32, #tpu.memory_space<vmem>>
    %dma_wait3A_258 = arith.constant 0 : i32
    %dma_wait3A_259 = tpu.memref_slice %arg5[%dma_wait3A_252, %dma_wait3A_258] : memref<200x128xi32, #tpu.memory_space<vmem>> -> memref<1x128xi32, #tpu.memory_space<vmem>>
    %dma_wait3A_260 = tpu.memref_squeeze %dma_wait3A_259 : memref<1x128xi32, #tpu.memory_space<vmem>> -> memref<128xi32, #tpu.memory_space<vmem>>
    %dma_wait3A_261 = arith.constant 0 : i32
    %dma_wait3A_262 = arith.constant 0 : i32
    %dma_wait3A_263 = tpu.memref_slice %arg3[%dma_wait3A_261, %dma_wait3A_262] : memref<1000000x64xf32, #tpu.memory_space<hbm>> -> memref<1000000x64xf32, #tpu.memory_space<hbm>>
    tpu.wait_indirect_dma semaphore(%arg8 : memref<!tpu.dma_semaphore, #tpu.memory_space<semaphore_mem>>) src(%dma_wait3A_263 : memref<1000000x64xf32, #tpu.memory_space<hbm>>) dst(%dma_wait3A_257 : memref<128x64xf32, #tpu.memory_space<vmem>>)
    %add3A_264 = arith.constant 184 : i32
    %add3A_265 = arith.addi %mul3A_2, %add3A_264 : i32
    %mul3A_266 = arith.constant 128 : i32
    %mul3A_267 = arith.muli %add3A_265, %mul3A_266 : i32
    %dma_start3A_268 = arith.constant 1 : i32
    %dma_start3A_269 = arith.constant 0 : i32
    %dma_start3A_270 = arith.constant 0 : i32
    %dma_start3A_271 = tpu.memref_slice %arg6[%dma_start3A_268, %dma_start3A_269, %dma_start3A_270] : memref<3x512x64xf32, #tpu.memory_space<vmem>> -> memref<1x512x64xf32, #tpu.memory_space<vmem>>
    %dma_start3A_272 = tpu.memref_squeeze %dma_start3A_271 : memref<1x512x64xf32, #tpu.memory_space<vmem>> -> memref<512x64xf32, #tpu.memory_space<vmem>>
    %dma_start3A_273 = arith.constant 0 : i32
    %dma_start3A_274 = tpu.memref_slice %arg4[%mul3A_267, %dma_start3A_273] : memref<819200x64xf32, #tpu.memory_space<hbm>> -> memref<512x64xf32, #tpu.memory_space<hbm>>
    %dma_start3A_275 = arith.constant 0 : i32
    %dma_start3A_276 = tpu.memref_slice %arg4[%mul3A_267, %dma_start3A_275] : memref<819200x64xf32, #tpu.memory_space<hbm>> -> memref<512x64xf32, #tpu.memory_space<hbm>>
    %dma_start3A_277 = arith.constant 0 : i32
    %dma_start3A_278 = arith.constant 0 : i32
    %dma_start3A_279 = tpu.memref_slice %arg6[%dma_start3A_268, %dma_start3A_277, %dma_start3A_278] : memref<3x512x64xf32, #tpu.memory_space<vmem>> -> memref<1x512x64xf32, #tpu.memory_space<vmem>>
    %dma_start3A_280 = tpu.memref_squeeze %dma_start3A_279 : memref<1x512x64xf32, #tpu.memory_space<vmem>> -> memref<512x64xf32, #tpu.memory_space<vmem>>
    tpu.enqueue_dma source(%dma_start3A_280 : memref<512x64xf32, #tpu.memory_space<vmem>>) target(%dma_start3A_276 : memref<512x64xf32, #tpu.memory_space<hbm>>) target_semaphore(%arg11 : memref<!tpu.dma_semaphore, #tpu.memory_space<semaphore_mem>>)
    %add3A_281 = arith.constant 180 : i32
    %add3A_282 = arith.addi %mul3A_2, %add3A_281 : i32
    %mul3A_283 = arith.constant 128 : i32
    %mul3A_284 = arith.muli %add3A_282, %mul3A_283 : i32
    %dma_wait3A_285 = arith.constant 0 : i32
    %dma_wait3A_286 = arith.constant 0 : i32
    %dma_wait3A_287 = arith.constant 0 : i32
    %dma_wait3A_288 = tpu.memref_slice %arg6[%dma_wait3A_285, %dma_wait3A_286, %dma_wait3A_287] : memref<3x512x64xf32, #tpu.memory_space<vmem>> -> memref<1x512x64xf32, #tpu.memory_space<vmem>>
    %dma_wait3A_289 = tpu.memref_squeeze %dma_wait3A_288 : memref<1x512x64xf32, #tpu.memory_space<vmem>> -> memref<512x64xf32, #tpu.memory_space<vmem>>
    %dma_wait3A_290 = arith.constant 0 : i32
    %dma_wait3A_291 = tpu.memref_slice %arg4[%mul3A_284, %dma_wait3A_290] : memref<819200x64xf32, #tpu.memory_space<hbm>> -> memref<512x64xf32, #tpu.memory_space<hbm>>
    %dma_wait3A_292 = arith.constant 0 : i32
    %dma_wait3A_293 = tpu.memref_slice %arg4[%mul3A_284, %dma_wait3A_292] : memref<819200x64xf32, #tpu.memory_space<hbm>> -> memref<512x64xf32, #tpu.memory_space<hbm>>
    %dma_wait3A_294 = arith.constant 0 : i32
    %dma_wait3A_295 = arith.constant 0 : i32
    %dma_wait3A_296 = tpu.memref_slice %arg6[%dma_wait3A_285, %dma_wait3A_294, %dma_wait3A_295] : memref<3x512x64xf32, #tpu.memory_space<vmem>> -> memref<1x512x64xf32, #tpu.memory_space<vmem>>
    %dma_wait3A_297 = tpu.memref_squeeze %dma_wait3A_296 : memref<1x512x64xf32, #tpu.memory_space<vmem>> -> memref<512x64xf32, #tpu.memory_space<vmem>>
    tpu.wait_dma2 semaphore(%arg10 : memref<!tpu.dma_semaphore, #tpu.memory_space<semaphore_mem>>) src(%dma_wait3A_297 : memref<512x64xf32, #tpu.memory_space<vmem>>) dst(%dma_wait3A_293 : memref<512x64xf32, #tpu.memory_space<hbm>>)
    %dma_start3A_298 = arith.constant 192 : i32
    %dma_start3A_299 = arith.constant 0 : i32
    %dma_start3A_300 = arith.constant 0 : i32
    %dma_start3A_301 = arith.constant 0 : i32
    %dma_start3A_302 = tpu.memref_slice %arg6[%dma_start3A_299, %dma_start3A_300, %dma_start3A_301] : memref<3x512x64xf32, #tpu.memory_space<vmem>> -> memref<1x128x64xf32, #tpu.memory_space<vmem>>
    %dma_start3A_303 = tpu.memref_squeeze %dma_start3A_302 : memref<1x128x64xf32, #tpu.memory_space<vmem>> -> memref<128x64xf32, #tpu.memory_space<vmem>>
    %dma_start3A_304 = arith.constant 0 : i32
    %dma_start3A_305 = tpu.memref_slice %arg5[%dma_start3A_298, %dma_start3A_304] : memref<200x128xi32, #tpu.memory_space<vmem>> -> memref<1x128xi32, #tpu.memory_space<vmem>>
    %dma_start3A_306 = tpu.memref_squeeze %dma_start3A_305 : memref<1x128xi32, #tpu.memory_space<vmem>> -> memref<128xi32, #tpu.memory_space<vmem>>
    %dma_start3A_307 = arith.constant 0 : i32
    %dma_start3A_308 = arith.constant 0 : i32
    %dma_start3A_309 = tpu.memref_slice %arg3[%dma_start3A_307, %dma_start3A_308] : memref<1000000x64xf32, #tpu.memory_space<hbm>> -> memref<1000000x64xf32, #tpu.memory_space<hbm>>
    tpu.enqueue_indirect_dma source(%dma_start3A_309 : memref<1000000x64xf32, #tpu.memory_space<hbm>>) target(%dma_start3A_303 : memref<128x64xf32, #tpu.memory_space<vmem>>) offsets(%dma_start3A_306 : memref<128xi32, #tpu.memory_space<vmem>>) semaphore(%arg7 : memref<!tpu.dma_semaphore, #tpu.memory_space<semaphore_mem>>)
    %dma_start3A_310 = arith.constant 193 : i32
    %dma_start3A_311 = arith.constant 0 : i32
    %dma_start3A_312 = arith.constant 128 : i32
    %dma_start3A_313 = arith.constant 0 : i32
    %dma_start3A_314 = tpu.memref_slice %arg6[%dma_start3A_311, %dma_start3A_312, %dma_start3A_313] : memref<3x512x64xf32, #tpu.memory_space<vmem>> -> memref<1x128x64xf32, #tpu.memory_space<vmem>>
    %dma_start3A_315 = tpu.memref_squeeze %dma_start3A_314 : memref<1x128x64xf32, #tpu.memory_space<vmem>> -> memref<128x64xf32, #tpu.memory_space<vmem>>
    %dma_start3A_316 = arith.constant 0 : i32
    %dma_start3A_317 = tpu.memref_slice %arg5[%dma_start3A_310, %dma_start3A_316] : memref<200x128xi32, #tpu.memory_space<vmem>> -> memref<1x128xi32, #tpu.memory_space<vmem>>
    %dma_start3A_318 = tpu.memref_squeeze %dma_start3A_317 : memref<1x128xi32, #tpu.memory_space<vmem>> -> memref<128xi32, #tpu.memory_space<vmem>>
    %dma_start3A_319 = arith.constant 0 : i32
    %dma_start3A_320 = arith.constant 0 : i32
    %dma_start3A_321 = tpu.memref_slice %arg3[%dma_start3A_319, %dma_start3A_320] : memref<1000000x64xf32, #tpu.memory_space<hbm>> -> memref<1000000x64xf32, #tpu.memory_space<hbm>>
    tpu.enqueue_indirect_dma source(%dma_start3A_321 : memref<1000000x64xf32, #tpu.memory_space<hbm>>) target(%dma_start3A_315 : memref<128x64xf32, #tpu.memory_space<vmem>>) offsets(%dma_start3A_318 : memref<128xi32, #tpu.memory_space<vmem>>) semaphore(%arg7 : memref<!tpu.dma_semaphore, #tpu.memory_space<semaphore_mem>>)
    %dma_start3A_322 = arith.constant 194 : i32
    %dma_start3A_323 = arith.constant 0 : i32
    %dma_start3A_324 = arith.constant 256 : i32
    %dma_start3A_325 = arith.constant 0 : i32
    %dma_start3A_326 = tpu.memref_slice %arg6[%dma_start3A_323, %dma_start3A_324, %dma_start3A_325] : memref<3x512x64xf32, #tpu.memory_space<vmem>> -> memref<1x128x64xf32, #tpu.memory_space<vmem>>
    %dma_start3A_327 = tpu.memref_squeeze %dma_start3A_326 : memref<1x128x64xf32, #tpu.memory_space<vmem>> -> memref<128x64xf32, #tpu.memory_space<vmem>>
    %dma_start3A_328 = arith.constant 0 : i32
    %dma_start3A_329 = tpu.memref_slice %arg5[%dma_start3A_322, %dma_start3A_328] : memref<200x128xi32, #tpu.memory_space<vmem>> -> memref<1x128xi32, #tpu.memory_space<vmem>>
    %dma_start3A_330 = tpu.memref_squeeze %dma_start3A_329 : memref<1x128xi32, #tpu.memory_space<vmem>> -> memref<128xi32, #tpu.memory_space<vmem>>
    %dma_start3A_331 = arith.constant 0 : i32
    %dma_start3A_332 = arith.constant 0 : i32
    %dma_start3A_333 = tpu.memref_slice %arg3[%dma_start3A_331, %dma_start3A_332] : memref<1000000x64xf32, #tpu.memory_space<hbm>> -> memref<1000000x64xf32, #tpu.memory_space<hbm>>
    tpu.enqueue_indirect_dma source(%dma_start3A_333 : memref<1000000x64xf32, #tpu.memory_space<hbm>>) target(%dma_start3A_327 : memref<128x64xf32, #tpu.memory_space<vmem>>) offsets(%dma_start3A_330 : memref<128xi32, #tpu.memory_space<vmem>>) semaphore(%arg7 : memref<!tpu.dma_semaphore, #tpu.memory_space<semaphore_mem>>)
    %dma_start3A_334 = arith.constant 195 : i32
    %dma_start3A_335 = arith.constant 0 : i32
    %dma_start3A_336 = arith.constant 384 : i32
    %dma_start3A_337 = arith.constant 0 : i32
    %dma_start3A_338 = tpu.memref_slice %arg6[%dma_start3A_335, %dma_start3A_336, %dma_start3A_337] : memref<3x512x64xf32, #tpu.memory_space<vmem>> -> memref<1x128x64xf32, #tpu.memory_space<vmem>>
    %dma_start3A_339 = tpu.memref_squeeze %dma_start3A_338 : memref<1x128x64xf32, #tpu.memory_space<vmem>> -> memref<128x64xf32, #tpu.memory_space<vmem>>
    %dma_start3A_340 = arith.constant 0 : i32
    %dma_start3A_341 = tpu.memref_slice %arg5[%dma_start3A_334, %dma_start3A_340] : memref<200x128xi32, #tpu.memory_space<vmem>> -> memref<1x128xi32, #tpu.memory_space<vmem>>
    %dma_start3A_342 = tpu.memref_squeeze %dma_start3A_341 : memref<1x128xi32, #tpu.memory_space<vmem>> -> memref<128xi32, #tpu.memory_space<vmem>>
    %dma_start3A_343 = arith.constant 0 : i32
    %dma_start3A_344 = arith.constant 0 : i32
    %dma_start3A_345 = tpu.memref_slice %arg3[%dma_start3A_343, %dma_start3A_344] : memref<1000000x64xf32, #tpu.memory_space<hbm>> -> memref<1000000x64xf32, #tpu.memory_space<hbm>>
    tpu.enqueue_indirect_dma source(%dma_start3A_345 : memref<1000000x64xf32, #tpu.memory_space<hbm>>) target(%dma_start3A_339 : memref<128x64xf32, #tpu.memory_space<vmem>>) offsets(%dma_start3A_342 : memref<128xi32, #tpu.memory_space<vmem>>) semaphore(%arg7 : memref<!tpu.dma_semaphore, #tpu.memory_space<semaphore_mem>>)
    %dma_wait3A_346 = arith.constant 188 : i32
    %dma_wait3A_347 = arith.constant 2 : i32
    %dma_wait3A_348 = arith.constant 0 : i32
    %dma_wait3A_349 = arith.constant 0 : i32
    %dma_wait3A_350 = tpu.memref_slice %arg6[%dma_wait3A_347, %dma_wait3A_348, %dma_wait3A_349] : memref<3x512x64xf32, #tpu.memory_space<vmem>> -> memref<1x128x64xf32, #tpu.memory_space<vmem>>
    %dma_wait3A_351 = tpu.memref_squeeze %dma_wait3A_350 : memref<1x128x64xf32, #tpu.memory_space<vmem>> -> memref<128x64xf32, #tpu.memory_space<vmem>>
    %dma_wait3A_352 = arith.constant 0 : i32
    %dma_wait3A_353 = tpu.memref_slice %arg5[%dma_wait3A_346, %dma_wait3A_352] : memref<200x128xi32, #tpu.memory_space<vmem>> -> memref<1x128xi32, #tpu.memory_space<vmem>>
    %dma_wait3A_354 = tpu.memref_squeeze %dma_wait3A_353 : memref<1x128xi32, #tpu.memory_space<vmem>> -> memref<128xi32, #tpu.memory_space<vmem>>
    %dma_wait3A_355 = arith.constant 0 : i32
    %dma_wait3A_356 = arith.constant 0 : i32
    %dma_wait3A_357 = tpu.memref_slice %arg3[%dma_wait3A_355, %dma_wait3A_356] : memref<1000000x64xf32, #tpu.memory_space<hbm>> -> memref<1000000x64xf32, #tpu.memory_space<hbm>>
    tpu.wait_indirect_dma semaphore(%arg9 : memref<!tpu.dma_semaphore, #tpu.memory_space<semaphore_mem>>) src(%dma_wait3A_357 : memref<1000000x64xf32, #tpu.memory_space<hbm>>) dst(%dma_wait3A_351 : memref<128x64xf32, #tpu.memory_space<vmem>>)
    %dma_wait3A_358 = arith.constant 189 : i32
    %dma_wait3A_359 = arith.constant 2 : i32
    %dma_wait3A_360 = arith.constant 128 : i32
    %dma_wait3A_361 = arith.constant 0 : i32
    %dma_wait3A_362 = tpu.memref_slice %arg6[%dma_wait3A_359, %dma_wait3A_360, %dma_wait3A_361] : memref<3x512x64xf32, #tpu.memory_space<vmem>> -> memref<1x128x64xf32, #tpu.memory_space<vmem>>
    %dma_wait3A_363 = tpu.memref_squeeze %dma_wait3A_362 : memref<1x128x64xf32, #tpu.memory_space<vmem>> -> memref<128x64xf32, #tpu.memory_space<vmem>>
    %dma_wait3A_364 = arith.constant 0 : i32
    %dma_wait3A_365 = tpu.memref_slice %arg5[%dma_wait3A_358, %dma_wait3A_364] : memref<200x128xi32, #tpu.memory_space<vmem>> -> memref<1x128xi32, #tpu.memory_space<vmem>>
    %dma_wait3A_366 = tpu.memref_squeeze %dma_wait3A_365 : memref<1x128xi32, #tpu.memory_space<vmem>> -> memref<128xi32, #tpu.memory_space<vmem>>
    %dma_wait3A_367 = arith.constant 0 : i32
    %dma_wait3A_368 = arith.constant 0 : i32
    %dma_wait3A_369 = tpu.memref_slice %arg3[%dma_wait3A_367, %dma_wait3A_368] : memref<1000000x64xf32, #tpu.memory_space<hbm>> -> memref<1000000x64xf32, #tpu.memory_space<hbm>>
    tpu.wait_indirect_dma semaphore(%arg9 : memref<!tpu.dma_semaphore, #tpu.memory_space<semaphore_mem>>) src(%dma_wait3A_369 : memref<1000000x64xf32, #tpu.memory_space<hbm>>) dst(%dma_wait3A_363 : memref<128x64xf32, #tpu.memory_space<vmem>>)
    %dma_wait3A_370 = arith.constant 190 : i32
    %dma_wait3A_371 = arith.constant 2 : i32
    %dma_wait3A_372 = arith.constant 256 : i32
    %dma_wait3A_373 = arith.constant 0 : i32
    %dma_wait3A_374 = tpu.memref_slice %arg6[%dma_wait3A_371, %dma_wait3A_372, %dma_wait3A_373] : memref<3x512x64xf32, #tpu.memory_space<vmem>> -> memref<1x128x64xf32, #tpu.memory_space<vmem>>
    %dma_wait3A_375 = tpu.memref_squeeze %dma_wait3A_374 : memref<1x128x64xf32, #tpu.memory_space<vmem>> -> memref<128x64xf32, #tpu.memory_space<vmem>>
    %dma_wait3A_376 = arith.constant 0 : i32
    %dma_wait3A_377 = tpu.memref_slice %arg5[%dma_wait3A_370, %dma_wait3A_376] : memref<200x128xi32, #tpu.memory_space<vmem>> -> memref<1x128xi32, #tpu.memory_space<vmem>>
    %dma_wait3A_378 = tpu.memref_squeeze %dma_wait3A_377 : memref<1x128xi32, #tpu.memory_space<vmem>> -> memref<128xi32, #tpu.memory_space<vmem>>
    %dma_wait3A_379 = arith.constant 0 : i32
    %dma_wait3A_380 = arith.constant 0 : i32
    %dma_wait3A_381 = tpu.memref_slice %arg3[%dma_wait3A_379, %dma_wait3A_380] : memref<1000000x64xf32, #tpu.memory_space<hbm>> -> memref<1000000x64xf32, #tpu.memory_space<hbm>>
    tpu.wait_indirect_dma semaphore(%arg9 : memref<!tpu.dma_semaphore, #tpu.memory_space<semaphore_mem>>) src(%dma_wait3A_381 : memref<1000000x64xf32, #tpu.memory_space<hbm>>) dst(%dma_wait3A_375 : memref<128x64xf32, #tpu.memory_space<vmem>>)
    %dma_wait3A_382 = arith.constant 191 : i32
    %dma_wait3A_383 = arith.constant 2 : i32
    %dma_wait3A_384 = arith.constant 384 : i32
    %dma_wait3A_385 = arith.constant 0 : i32
    %dma_wait3A_386 = tpu.memref_slice %arg6[%dma_wait3A_383, %dma_wait3A_384, %dma_wait3A_385] : memref<3x512x64xf32, #tpu.memory_space<vmem>> -> memref<1x128x64xf32, #tpu.memory_space<vmem>>
    %dma_wait3A_387 = tpu.memref_squeeze %dma_wait3A_386 : memref<1x128x64xf32, #tpu.memory_space<vmem>> -> memref<128x64xf32, #tpu.memory_space<vmem>>
    %dma_wait3A_388 = arith.constant 0 : i32
    %dma_wait3A_389 = tpu.memref_slice %arg5[%dma_wait3A_382, %dma_wait3A_388] : memref<200x128xi32, #tpu.memory_space<vmem>> -> memref<1x128xi32, #tpu.memory_space<vmem>>
    %dma_wait3A_390 = tpu.memref_squeeze %dma_wait3A_389 : memref<1x128xi32, #tpu.memory_space<vmem>> -> memref<128xi32, #tpu.memory_space<vmem>>
    %dma_wait3A_391 = arith.constant 0 : i32
    %dma_wait3A_392 = arith.constant 0 : i32
    %dma_wait3A_393 = tpu.memref_slice %arg3[%dma_wait3A_391, %dma_wait3A_392] : memref<1000000x64xf32, #tpu.memory_space<hbm>> -> memref<1000000x64xf32, #tpu.memory_space<hbm>>
    tpu.wait_indirect_dma semaphore(%arg9 : memref<!tpu.dma_semaphore, #tpu.memory_space<semaphore_mem>>) src(%dma_wait3A_393 : memref<1000000x64xf32, #tpu.memory_space<hbm>>) dst(%dma_wait3A_387 : memref<128x64xf32, #tpu.memory_space<vmem>>)
    %add3A_394 = arith.constant 188 : i32
    %add3A_395 = arith.addi %mul3A_2, %add3A_394 : i32
    %mul3A_396 = arith.constant 128 : i32
    %mul3A_397 = arith.muli %add3A_395, %mul3A_396 : i32
    %dma_start3A_398 = arith.constant 2 : i32
    %dma_start3A_399 = arith.constant 0 : i32
    %dma_start3A_400 = arith.constant 0 : i32
    %dma_start3A_401 = tpu.memref_slice %arg6[%dma_start3A_398, %dma_start3A_399, %dma_start3A_400] : memref<3x512x64xf32, #tpu.memory_space<vmem>> -> memref<1x512x64xf32, #tpu.memory_space<vmem>>
    %dma_start3A_402 = tpu.memref_squeeze %dma_start3A_401 : memref<1x512x64xf32, #tpu.memory_space<vmem>> -> memref<512x64xf32, #tpu.memory_space<vmem>>
    %dma_start3A_403 = arith.constant 0 : i32
    %dma_start3A_404 = tpu.memref_slice %arg4[%mul3A_397, %dma_start3A_403] : memref<819200x64xf32, #tpu.memory_space<hbm>> -> memref<512x64xf32, #tpu.memory_space<hbm>>
    %dma_start3A_405 = arith.constant 0 : i32
    %dma_start3A_406 = tpu.memref_slice %arg4[%mul3A_397, %dma_start3A_405] : memref<819200x64xf32, #tpu.memory_space<hbm>> -> memref<512x64xf32, #tpu.memory_space<hbm>>
    %dma_start3A_407 = arith.constant 0 : i32
    %dma_start3A_408 = arith.constant 0 : i32
    %dma_start3A_409 = tpu.memref_slice %arg6[%dma_start3A_398, %dma_start3A_407, %dma_start3A_408] : memref<3x512x64xf32, #tpu.memory_space<vmem>> -> memref<1x512x64xf32, #tpu.memory_space<vmem>>
    %dma_start3A_410 = tpu.memref_squeeze %dma_start3A_409 : memref<1x512x64xf32, #tpu.memory_space<vmem>> -> memref<512x64xf32, #tpu.memory_space<vmem>>
    tpu.enqueue_dma source(%dma_start3A_410 : memref<512x64xf32, #tpu.memory_space<vmem>>) target(%dma_start3A_406 : memref<512x64xf32, #tpu.memory_space<hbm>>) target_semaphore(%arg12 : memref<!tpu.dma_semaphore, #tpu.memory_space<semaphore_mem>>)
    %add3A_411 = arith.constant 184 : i32
    %add3A_412 = arith.addi %mul3A_2, %add3A_411 : i32
    %mul3A_413 = arith.constant 128 : i32
    %mul3A_414 = arith.muli %add3A_412, %mul3A_413 : i32
    %dma_wait3A_415 = arith.constant 1 : i32
    %dma_wait3A_416 = arith.constant 0 : i32
    %dma_wait3A_417 = arith.constant 0 : i32
    %dma_wait3A_418 = tpu.memref_slice %arg6[%dma_wait3A_415, %dma_wait3A_416, %dma_wait3A_417] : memref<3x512x64xf32, #tpu.memory_space<vmem>> -> memref<1x512x64xf32, #tpu.memory_space<vmem>>
    %dma_wait3A_419 = tpu.memref_squeeze %dma_wait3A_418 : memref<1x512x64xf32, #tpu.memory_space<vmem>> -> memref<512x64xf32, #tpu.memory_space<vmem>>
    %dma_wait3A_420 = arith.constant 0 : i32
    %dma_wait3A_421 = tpu.memref_slice %arg4[%mul3A_414, %dma_wait3A_420] : memref<819200x64xf32, #tpu.memory_space<hbm>> -> memref<512x64xf32, #tpu.memory_space<hbm>>
    %dma_wait3A_422 = arith.constant 0 : i32
    %dma_wait3A_423 = tpu.memref_slice %arg4[%mul3A_414, %dma_wait3A_422] : memref<819200x64xf32, #tpu.memory_space<hbm>> -> memref<512x64xf32, #tpu.memory_space<hbm>>
    %dma_wait3A_424 = arith.constant 0 : i32
    %dma_wait3A_425 = arith.constant 0 : i32
    %dma_wait3A_426 = tpu.memref_slice %arg6[%dma_wait3A_415, %dma_wait3A_424, %dma_wait3A_425] : memref<3x512x64xf32, #tpu.memory_space<vmem>> -> memref<1x512x64xf32, #tpu.memory_space<vmem>>
    %dma_wait3A_427 = tpu.memref_squeeze %dma_wait3A_426 : memref<1x512x64xf32, #tpu.memory_space<vmem>> -> memref<512x64xf32, #tpu.memory_space<vmem>>
    tpu.wait_dma2 semaphore(%arg11 : memref<!tpu.dma_semaphore, #tpu.memory_space<semaphore_mem>>) src(%dma_wait3A_427 : memref<512x64xf32, #tpu.memory_space<vmem>>) dst(%dma_wait3A_423 : memref<512x64xf32, #tpu.memory_space<hbm>>)
    %dma_start3A_428 = arith.constant 196 : i32
    %dma_start3A_429 = arith.constant 1 : i32
    %dma_start3A_430 = arith.constant 0 : i32
    %dma_start3A_431 = arith.constant 0 : i32
    %dma_start3A_432 = tpu.memref_slice %arg6[%dma_start3A_429, %dma_start3A_430, %dma_start3A_431] : memref<3x512x64xf32, #tpu.memory_space<vmem>> -> memref<1x128x64xf32, #tpu.memory_space<vmem>>
    %dma_start3A_433 = tpu.memref_squeeze %dma_start3A_432 : memref<1x128x64xf32, #tpu.memory_space<vmem>> -> memref<128x64xf32, #tpu.memory_space<vmem>>
    %dma_start3A_434 = arith.constant 0 : i32
    %dma_start3A_435 = tpu.memref_slice %arg5[%dma_start3A_428, %dma_start3A_434] : memref<200x128xi32, #tpu.memory_space<vmem>> -> memref<1x128xi32, #tpu.memory_space<vmem>>
    %dma_start3A_436 = tpu.memref_squeeze %dma_start3A_435 : memref<1x128xi32, #tpu.memory_space<vmem>> -> memref<128xi32, #tpu.memory_space<vmem>>
    %dma_start3A_437 = arith.constant 0 : i32
    %dma_start3A_438 = arith.constant 0 : i32
    %dma_start3A_439 = tpu.memref_slice %arg3[%dma_start3A_437, %dma_start3A_438] : memref<1000000x64xf32, #tpu.memory_space<hbm>> -> memref<1000000x64xf32, #tpu.memory_space<hbm>>
    tpu.enqueue_indirect_dma source(%dma_start3A_439 : memref<1000000x64xf32, #tpu.memory_space<hbm>>) target(%dma_start3A_433 : memref<128x64xf32, #tpu.memory_space<vmem>>) offsets(%dma_start3A_436 : memref<128xi32, #tpu.memory_space<vmem>>) semaphore(%arg8 : memref<!tpu.dma_semaphore, #tpu.memory_space<semaphore_mem>>)
    %dma_start3A_440 = arith.constant 197 : i32
    %dma_start3A_441 = arith.constant 1 : i32
    %dma_start3A_442 = arith.constant 128 : i32
    %dma_start3A_443 = arith.constant 0 : i32
    %dma_start3A_444 = tpu.memref_slice %arg6[%dma_start3A_441, %dma_start3A_442, %dma_start3A_443] : memref<3x512x64xf32, #tpu.memory_space<vmem>> -> memref<1x128x64xf32, #tpu.memory_space<vmem>>
    %dma_start3A_445 = tpu.memref_squeeze %dma_start3A_444 : memref<1x128x64xf32, #tpu.memory_space<vmem>> -> memref<128x64xf32, #tpu.memory_space<vmem>>
    %dma_start3A_446 = arith.constant 0 : i32
    %dma_start3A_447 = tpu.memref_slice %arg5[%dma_start3A_440, %dma_start3A_446] : memref<200x128xi32, #tpu.memory_space<vmem>> -> memref<1x128xi32, #tpu.memory_space<vmem>>
    %dma_start3A_448 = tpu.memref_squeeze %dma_start3A_447 : memref<1x128xi32, #tpu.memory_space<vmem>> -> memref<128xi32, #tpu.memory_space<vmem>>
    %dma_start3A_449 = arith.constant 0 : i32
    %dma_start3A_450 = arith.constant 0 : i32
    %dma_start3A_451 = tpu.memref_slice %arg3[%dma_start3A_449, %dma_start3A_450] : memref<1000000x64xf32, #tpu.memory_space<hbm>> -> memref<1000000x64xf32, #tpu.memory_space<hbm>>
    tpu.enqueue_indirect_dma source(%dma_start3A_451 : memref<1000000x64xf32, #tpu.memory_space<hbm>>) target(%dma_start3A_445 : memref<128x64xf32, #tpu.memory_space<vmem>>) offsets(%dma_start3A_448 : memref<128xi32, #tpu.memory_space<vmem>>) semaphore(%arg8 : memref<!tpu.dma_semaphore, #tpu.memory_space<semaphore_mem>>)
    %dma_start3A_452 = arith.constant 198 : i32
    %dma_start3A_453 = arith.constant 1 : i32
    %dma_start3A_454 = arith.constant 256 : i32
    %dma_start3A_455 = arith.constant 0 : i32
    %dma_start3A_456 = tpu.memref_slice %arg6[%dma_start3A_453, %dma_start3A_454, %dma_start3A_455] : memref<3x512x64xf32, #tpu.memory_space<vmem>> -> memref<1x128x64xf32, #tpu.memory_space<vmem>>
    %dma_start3A_457 = tpu.memref_squeeze %dma_start3A_456 : memref<1x128x64xf32, #tpu.memory_space<vmem>> -> memref<128x64xf32, #tpu.memory_space<vmem>>
    %dma_start3A_458 = arith.constant 0 : i32
    %dma_start3A_459 = tpu.memref_slice %arg5[%dma_start3A_452, %dma_start3A_458] : memref<200x128xi32, #tpu.memory_space<vmem>> -> memref<1x128xi32, #tpu.memory_space<vmem>>
    %dma_start3A_460 = tpu.memref_squeeze %dma_start3A_459 : memref<1x128xi32, #tpu.memory_space<vmem>> -> memref<128xi32, #tpu.memory_space<vmem>>
    %dma_start3A_461 = arith.constant 0 : i32
    %dma_start3A_462 = arith.constant 0 : i32
    %dma_start3A_463 = tpu.memref_slice %arg3[%dma_start3A_461, %dma_start3A_462] : memref<1000000x64xf32, #tpu.memory_space<hbm>> -> memref<1000000x64xf32, #tpu.memory_space<hbm>>
    tpu.enqueue_indirect_dma source(%dma_start3A_463 : memref<1000000x64xf32, #tpu.memory_space<hbm>>) target(%dma_start3A_457 : memref<128x64xf32, #tpu.memory_space<vmem>>) offsets(%dma_start3A_460 : memref<128xi32, #tpu.memory_space<vmem>>) semaphore(%arg8 : memref<!tpu.dma_semaphore, #tpu.memory_space<semaphore_mem>>)
    %dma_start3A_464 = arith.constant 199 : i32
    %dma_start3A_465 = arith.constant 1 : i32
    %dma_start3A_466 = arith.constant 384 : i32
    %dma_start3A_467 = arith.constant 0 : i32
    %dma_start3A_468 = tpu.memref_slice %arg6[%dma_start3A_465, %dma_start3A_466, %dma_start3A_467] : memref<3x512x64xf32, #tpu.memory_space<vmem>> -> memref<1x128x64xf32, #tpu.memory_space<vmem>>
    %dma_start3A_469 = tpu.memref_squeeze %dma_start3A_468 : memref<1x128x64xf32, #tpu.memory_space<vmem>> -> memref<128x64xf32, #tpu.memory_space<vmem>>
    %dma_start3A_470 = arith.constant 0 : i32
    %dma_start3A_471 = tpu.memref_slice %arg5[%dma_start3A_464, %dma_start3A_470] : memref<200x128xi32, #tpu.memory_space<vmem>> -> memref<1x128xi32, #tpu.memory_space<vmem>>
    %dma_start3A_472 = tpu.memref_squeeze %dma_start3A_471 : memref<1x128xi32, #tpu.memory_space<vmem>> -> memref<128xi32, #tpu.memory_space<vmem>>
    %dma_start3A_473 = arith.constant 0 : i32
    %dma_start3A_474 = arith.constant 0 : i32
    %dma_start3A_475 = tpu.memref_slice %arg3[%dma_start3A_473, %dma_start3A_474] : memref<1000000x64xf32, #tpu.memory_space<hbm>> -> memref<1000000x64xf32, #tpu.memory_space<hbm>>
    tpu.enqueue_indirect_dma source(%dma_start3A_475 : memref<1000000x64xf32, #tpu.memory_space<hbm>>) target(%dma_start3A_469 : memref<128x64xf32, #tpu.memory_space<vmem>>) offsets(%dma_start3A_472 : memref<128xi32, #tpu.memory_space<vmem>>) semaphore(%arg8 : memref<!tpu.dma_semaphore, #tpu.memory_space<semaphore_mem>>)
    %dma_wait3A_476 = arith.constant 192 : i32
    %dma_wait3A_477 = arith.constant 0 : i32
    %dma_wait3A_478 = arith.constant 0 : i32
    %dma_wait3A_479 = arith.constant 0 : i32
    %dma_wait3A_480 = tpu.memref_slice %arg6[%dma_wait3A_477, %dma_wait3A_478, %dma_wait3A_479] : memref<3x512x64xf32, #tpu.memory_space<vmem>> -> memref<1x128x64xf32, #tpu.memory_space<vmem>>
    %dma_wait3A_481 = tpu.memref_squeeze %dma_wait3A_480 : memref<1x128x64xf32, #tpu.memory_space<vmem>> -> memref<128x64xf32, #tpu.memory_space<vmem>>
    %dma_wait3A_482 = arith.constant 0 : i32
    %dma_wait3A_483 = tpu.memref_slice %arg5[%dma_wait3A_476, %dma_wait3A_482] : memref<200x128xi32, #tpu.memory_space<vmem>> -> memref<1x128xi32, #tpu.memory_space<vmem>>
    %dma_wait3A_484 = tpu.memref_squeeze %dma_wait3A_483 : memref<1x128xi32, #tpu.memory_space<vmem>> -> memref<128xi32, #tpu.memory_space<vmem>>
    %dma_wait3A_485 = arith.constant 0 : i32
    %dma_wait3A_486 = arith.constant 0 : i32
    %dma_wait3A_487 = tpu.memref_slice %arg3[%dma_wait3A_485, %dma_wait3A_486] : memref<1000000x64xf32, #tpu.memory_space<hbm>> -> memref<1000000x64xf32, #tpu.memory_space<hbm>>
    tpu.wait_indirect_dma semaphore(%arg7 : memref<!tpu.dma_semaphore, #tpu.memory_space<semaphore_mem>>) src(%dma_wait3A_487 : memref<1000000x64xf32, #tpu.memory_space<hbm>>) dst(%dma_wait3A_481 : memref<128x64xf32, #tpu.memory_space<vmem>>)
    %dma_wait3A_488 = arith.constant 193 : i32
    %dma_wait3A_489 = arith.constant 0 : i32
    %dma_wait3A_490 = arith.constant 128 : i32
    %dma_wait3A_491 = arith.constant 0 : i32
    %dma_wait3A_492 = tpu.memref_slice %arg6[%dma_wait3A_489, %dma_wait3A_490, %dma_wait3A_491] : memref<3x512x64xf32, #tpu.memory_space<vmem>> -> memref<1x128x64xf32, #tpu.memory_space<vmem>>
    %dma_wait3A_493 = tpu.memref_squeeze %dma_wait3A_492 : memref<1x128x64xf32, #tpu.memory_space<vmem>> -> memref<128x64xf32, #tpu.memory_space<vmem>>
    %dma_wait3A_494 = arith.constant 0 : i32
    %dma_wait3A_495 = tpu.memref_slice %arg5[%dma_wait3A_488, %dma_wait3A_494] : memref<200x128xi32, #tpu.memory_space<vmem>> -> memref<1x128xi32, #tpu.memory_space<vmem>>
    %dma_wait3A_496 = tpu.memref_squeeze %dma_wait3A_495 : memref<1x128xi32, #tpu.memory_space<vmem>> -> memref<128xi32, #tpu.memory_space<vmem>>
    %dma_wait3A_497 = arith.constant 0 : i32
    %dma_wait3A_498 = arith.constant 0 : i32
    %dma_wait3A_499 = tpu.memref_slice %arg3[%dma_wait3A_497, %dma_wait3A_498] : memref<1000000x64xf32, #tpu.memory_space<hbm>> -> memref<1000000x64xf32, #tpu.memory_space<hbm>>
    tpu.wait_indirect_dma semaphore(%arg7 : memref<!tpu.dma_semaphore, #tpu.memory_space<semaphore_mem>>) src(%dma_wait3A_499 : memref<1000000x64xf32, #tpu.memory_space<hbm>>) dst(%dma_wait3A_493 : memref<128x64xf32, #tpu.memory_space<vmem>>)
    %dma_wait3A_500 = arith.constant 194 : i32
    %dma_wait3A_501 = arith.constant 0 : i32
    %dma_wait3A_502 = arith.constant 256 : i32
    %dma_wait3A_503 = arith.constant 0 : i32
    %dma_wait3A_504 = tpu.memref_slice %arg6[%dma_wait3A_501, %dma_wait3A_502, %dma_wait3A_503] : memref<3x512x64xf32, #tpu.memory_space<vmem>> -> memref<1x128x64xf32, #tpu.memory_space<vmem>>
    %dma_wait3A_505 = tpu.memref_squeeze %dma_wait3A_504 : memref<1x128x64xf32, #tpu.memory_space<vmem>> -> memref<128x64xf32, #tpu.memory_space<vmem>>
    %dma_wait3A_506 = arith.constant 0 : i32
    %dma_wait3A_507 = tpu.memref_slice %arg5[%dma_wait3A_500, %dma_wait3A_506] : memref<200x128xi32, #tpu.memory_space<vmem>> -> memref<1x128xi32, #tpu.memory_space<vmem>>
    %dma_wait3A_508 = tpu.memref_squeeze %dma_wait3A_507 : memref<1x128xi32, #tpu.memory_space<vmem>> -> memref<128xi32, #tpu.memory_space<vmem>>
    %dma_wait3A_509 = arith.constant 0 : i32
    %dma_wait3A_510 = arith.constant 0 : i32
    %dma_wait3A_511 = tpu.memref_slice %arg3[%dma_wait3A_509, %dma_wait3A_510] : memref<1000000x64xf32, #tpu.memory_space<hbm>> -> memref<1000000x64xf32, #tpu.memory_space<hbm>>
    tpu.wait_indirect_dma semaphore(%arg7 : memref<!tpu.dma_semaphore, #tpu.memory_space<semaphore_mem>>) src(%dma_wait3A_511 : memref<1000000x64xf32, #tpu.memory_space<hbm>>) dst(%dma_wait3A_505 : memref<128x64xf32, #tpu.memory_space<vmem>>)
    %dma_wait3A_512 = arith.constant 195 : i32
    %dma_wait3A_513 = arith.constant 0 : i32
    %dma_wait3A_514 = arith.constant 384 : i32
    %dma_wait3A_515 = arith.constant 0 : i32
    %dma_wait3A_516 = tpu.memref_slice %arg6[%dma_wait3A_513, %dma_wait3A_514, %dma_wait3A_515] : memref<3x512x64xf32, #tpu.memory_space<vmem>> -> memref<1x128x64xf32, #tpu.memory_space<vmem>>
    %dma_wait3A_517 = tpu.memref_squeeze %dma_wait3A_516 : memref<1x128x64xf32, #tpu.memory_space<vmem>> -> memref<128x64xf32, #tpu.memory_space<vmem>>
    %dma_wait3A_518 = arith.constant 0 : i32
    %dma_wait3A_519 = tpu.memref_slice %arg5[%dma_wait3A_512, %dma_wait3A_518] : memref<200x128xi32, #tpu.memory_space<vmem>> -> memref<1x128xi32, #tpu.memory_space<vmem>>
    %dma_wait3A_520 = tpu.memref_squeeze %dma_wait3A_519 : memref<1x128xi32, #tpu.memory_space<vmem>> -> memref<128xi32, #tpu.memory_space<vmem>>
    %dma_wait3A_521 = arith.constant 0 : i32
    %dma_wait3A_522 = arith.constant 0 : i32
    %dma_wait3A_523 = tpu.memref_slice %arg3[%dma_wait3A_521, %dma_wait3A_522] : memref<1000000x64xf32, #tpu.memory_space<hbm>> -> memref<1000000x64xf32, #tpu.memory_space<hbm>>
    tpu.wait_indirect_dma semaphore(%arg7 : memref<!tpu.dma_semaphore, #tpu.memory_space<semaphore_mem>>) src(%dma_wait3A_523 : memref<1000000x64xf32, #tpu.memory_space<hbm>>) dst(%dma_wait3A_517 : memref<128x64xf32, #tpu.memory_space<vmem>>)
    %add3A_524 = arith.constant 192 : i32
    %add3A_525 = arith.addi %mul3A_2, %add3A_524 : i32
    %mul3A_526 = arith.constant 128 : i32
    %mul3A_527 = arith.muli %add3A_525, %mul3A_526 : i32
    %dma_start3A_528 = arith.constant 0 : i32
    %dma_start3A_529 = arith.constant 0 : i32
    %dma_start3A_530 = arith.constant 0 : i32
    %dma_start3A_531 = tpu.memref_slice %arg6[%dma_start3A_528, %dma_start3A_529, %dma_start3A_530] : memref<3x512x64xf32, #tpu.memory_space<vmem>> -> memref<1x512x64xf32, #tpu.memory_space<vmem>>
    %dma_start3A_532 = tpu.memref_squeeze %dma_start3A_531 : memref<1x512x64xf32, #tpu.memory_space<vmem>> -> memref<512x64xf32, #tpu.memory_space<vmem>>
    %dma_start3A_533 = arith.constant 0 : i32
    %dma_start3A_534 = tpu.memref_slice %arg4[%mul3A_527, %dma_start3A_533] : memref<819200x64xf32, #tpu.memory_space<hbm>> -> memref<512x64xf32, #tpu.memory_space<hbm>>
    %dma_start3A_535 = arith.constant 0 : i32
    %dma_start3A_536 = tpu.memref_slice %arg4[%mul3A_527, %dma_start3A_535] : memref<819200x64xf32, #tpu.memory_space<hbm>> -> memref<512x64xf32, #tpu.memory_space<hbm>>
    %dma_start3A_537 = arith.constant 0 : i32
    %dma_start3A_538 = arith.constant 0 : i32
    %dma_start3A_539 = tpu.memref_slice %arg6[%dma_start3A_528, %dma_start3A_537, %dma_start3A_538] : memref<3x512x64xf32, #tpu.memory_space<vmem>> -> memref<1x512x64xf32, #tpu.memory_space<vmem>>
    %dma_start3A_540 = tpu.memref_squeeze %dma_start3A_539 : memref<1x512x64xf32, #tpu.memory_space<vmem>> -> memref<512x64xf32, #tpu.memory_space<vmem>>
    tpu.enqueue_dma source(%dma_start3A_540 : memref<512x64xf32, #tpu.memory_space<vmem>>) target(%dma_start3A_536 : memref<512x64xf32, #tpu.memory_space<hbm>>) target_semaphore(%arg10 : memref<!tpu.dma_semaphore, #tpu.memory_space<semaphore_mem>>)
    %dma_wait3A_541 = arith.constant 196 : i32
    %dma_wait3A_542 = arith.constant 1 : i32
    %dma_wait3A_543 = arith.constant 0 : i32
    %dma_wait3A_544 = arith.constant 0 : i32
    %dma_wait3A_545 = tpu.memref_slice %arg6[%dma_wait3A_542, %dma_wait3A_543, %dma_wait3A_544] : memref<3x512x64xf32, #tpu.memory_space<vmem>> -> memref<1x128x64xf32, #tpu.memory_space<vmem>>
    %dma_wait3A_546 = tpu.memref_squeeze %dma_wait3A_545 : memref<1x128x64xf32, #tpu.memory_space<vmem>> -> memref<128x64xf32, #tpu.memory_space<vmem>>
    %dma_wait3A_547 = arith.constant 0 : i32
    %dma_wait3A_548 = tpu.memref_slice %arg5[%dma_wait3A_541, %dma_wait3A_547] : memref<200x128xi32, #tpu.memory_space<vmem>> -> memref<1x128xi32, #tpu.memory_space<vmem>>
    %dma_wait3A_549 = tpu.memref_squeeze %dma_wait3A_548 : memref<1x128xi32, #tpu.memory_space<vmem>> -> memref<128xi32, #tpu.memory_space<vmem>>
    %dma_wait3A_550 = arith.constant 0 : i32
    %dma_wait3A_551 = arith.constant 0 : i32
    %dma_wait3A_552 = tpu.memref_slice %arg3[%dma_wait3A_550, %dma_wait3A_551] : memref<1000000x64xf32, #tpu.memory_space<hbm>> -> memref<1000000x64xf32, #tpu.memory_space<hbm>>
    tpu.wait_indirect_dma semaphore(%arg8 : memref<!tpu.dma_semaphore, #tpu.memory_space<semaphore_mem>>) src(%dma_wait3A_552 : memref<1000000x64xf32, #tpu.memory_space<hbm>>) dst(%dma_wait3A_546 : memref<128x64xf32, #tpu.memory_space<vmem>>)
    %dma_wait3A_553 = arith.constant 197 : i32
    %dma_wait3A_554 = arith.constant 1 : i32
    %dma_wait3A_555 = arith.constant 128 : i32
    %dma_wait3A_556 = arith.constant 0 : i32
    %dma_wait3A_557 = tpu.memref_slice %arg6[%dma_wait3A_554, %dma_wait3A_555, %dma_wait3A_556] : memref<3x512x64xf32, #tpu.memory_space<vmem>> -> memref<1x128x64xf32, #tpu.memory_space<vmem>>
    %dma_wait3A_558 = tpu.memref_squeeze %dma_wait3A_557 : memref<1x128x64xf32, #tpu.memory_space<vmem>> -> memref<128x64xf32, #tpu.memory_space<vmem>>
    %dma_wait3A_559 = arith.constant 0 : i32
    %dma_wait3A_560 = tpu.memref_slice %arg5[%dma_wait3A_553, %dma_wait3A_559] : memref<200x128xi32, #tpu.memory_space<vmem>> -> memref<1x128xi32, #tpu.memory_space<vmem>>
    %dma_wait3A_561 = tpu.memref_squeeze %dma_wait3A_560 : memref<1x128xi32, #tpu.memory_space<vmem>> -> memref<128xi32, #tpu.memory_space<vmem>>
    %dma_wait3A_562 = arith.constant 0 : i32
    %dma_wait3A_563 = arith.constant 0 : i32
    %dma_wait3A_564 = tpu.memref_slice %arg3[%dma_wait3A_562, %dma_wait3A_563] : memref<1000000x64xf32, #tpu.memory_space<hbm>> -> memref<1000000x64xf32, #tpu.memory_space<hbm>>
    tpu.wait_indirect_dma semaphore(%arg8 : memref<!tpu.dma_semaphore, #tpu.memory_space<semaphore_mem>>) src(%dma_wait3A_564 : memref<1000000x64xf32, #tpu.memory_space<hbm>>) dst(%dma_wait3A_558 : memref<128x64xf32, #tpu.memory_space<vmem>>)
    %dma_wait3A_565 = arith.constant 198 : i32
    %dma_wait3A_566 = arith.constant 1 : i32
    %dma_wait3A_567 = arith.constant 256 : i32
    %dma_wait3A_568 = arith.constant 0 : i32
    %dma_wait3A_569 = tpu.memref_slice %arg6[%dma_wait3A_566, %dma_wait3A_567, %dma_wait3A_568] : memref<3x512x64xf32, #tpu.memory_space<vmem>> -> memref<1x128x64xf32, #tpu.memory_space<vmem>>
    %dma_wait3A_570 = tpu.memref_squeeze %dma_wait3A_569 : memref<1x128x64xf32, #tpu.memory_space<vmem>> -> memref<128x64xf32, #tpu.memory_space<vmem>>
    %dma_wait3A_571 = arith.constant 0 : i32
    %dma_wait3A_572 = tpu.memref_slice %arg5[%dma_wait3A_565, %dma_wait3A_571] : memref<200x128xi32, #tpu.memory_space<vmem>> -> memref<1x128xi32, #tpu.memory_space<vmem>>
    %dma_wait3A_573 = tpu.memref_squeeze %dma_wait3A_572 : memref<1x128xi32, #tpu.memory_space<vmem>> -> memref<128xi32, #tpu.memory_space<vmem>>
    %dma_wait3A_574 = arith.constant 0 : i32
    %dma_wait3A_575 = arith.constant 0 : i32
    %dma_wait3A_576 = tpu.memref_slice %arg3[%dma_wait3A_574, %dma_wait3A_575] : memref<1000000x64xf32, #tpu.memory_space<hbm>> -> memref<1000000x64xf32, #tpu.memory_space<hbm>>
    tpu.wait_indirect_dma semaphore(%arg8 : memref<!tpu.dma_semaphore, #tpu.memory_space<semaphore_mem>>) src(%dma_wait3A_576 : memref<1000000x64xf32, #tpu.memory_space<hbm>>) dst(%dma_wait3A_570 : memref<128x64xf32, #tpu.memory_space<vmem>>)
    %dma_wait3A_577 = arith.constant 199 : i32
    %dma_wait3A_578 = arith.constant 1 : i32
    %dma_wait3A_579 = arith.constant 384 : i32
    %dma_wait3A_580 = arith.constant 0 : i32
    %dma_wait3A_581 = tpu.memref_slice %arg6[%dma_wait3A_578, %dma_wait3A_579, %dma_wait3A_580] : memref<3x512x64xf32, #tpu.memory_space<vmem>> -> memref<1x128x64xf32, #tpu.memory_space<vmem>>
    %dma_wait3A_582 = tpu.memref_squeeze %dma_wait3A_581 : memref<1x128x64xf32, #tpu.memory_space<vmem>> -> memref<128x64xf32, #tpu.memory_space<vmem>>
    %dma_wait3A_583 = arith.constant 0 : i32
    %dma_wait3A_584 = tpu.memref_slice %arg5[%dma_wait3A_577, %dma_wait3A_583] : memref<200x128xi32, #tpu.memory_space<vmem>> -> memref<1x128xi32, #tpu.memory_space<vmem>>
    %dma_wait3A_585 = tpu.memref_squeeze %dma_wait3A_584 : memref<1x128xi32, #tpu.memory_space<vmem>> -> memref<128xi32, #tpu.memory_space<vmem>>
    %dma_wait3A_586 = arith.constant 0 : i32
    %dma_wait3A_587 = arith.constant 0 : i32
    %dma_wait3A_588 = tpu.memref_slice %arg3[%dma_wait3A_586, %dma_wait3A_587] : memref<1000000x64xf32, #tpu.memory_space<hbm>> -> memref<1000000x64xf32, #tpu.memory_space<hbm>>
    tpu.wait_indirect_dma semaphore(%arg8 : memref<!tpu.dma_semaphore, #tpu.memory_space<semaphore_mem>>) src(%dma_wait3A_588 : memref<1000000x64xf32, #tpu.memory_space<hbm>>) dst(%dma_wait3A_582 : memref<128x64xf32, #tpu.memory_space<vmem>>)
    %add3A_589 = arith.constant 196 : i32
    %add3A_590 = arith.addi %mul3A_2, %add3A_589 : i32
    %mul3A_591 = arith.constant 128 : i32
    %mul3A_592 = arith.muli %add3A_590, %mul3A_591 : i32
    %dma_start3A_593 = arith.constant 1 : i32
    %dma_start3A_594 = arith.constant 0 : i32
    %dma_start3A_595 = arith.constant 0 : i32
    %dma_start3A_596 = tpu.memref_slice %arg6[%dma_start3A_593, %dma_start3A_594, %dma_start3A_595] : memref<3x512x64xf32, #tpu.memory_space<vmem>> -> memref<1x512x64xf32, #tpu.memory_space<vmem>>
    %dma_start3A_597 = tpu.memref_squeeze %dma_start3A_596 : memref<1x512x64xf32, #tpu.memory_space<vmem>> -> memref<512x64xf32, #tpu.memory_space<vmem>>
    %dma_start3A_598 = arith.constant 0 : i32
    %dma_start3A_599 = tpu.memref_slice %arg4[%mul3A_592, %dma_start3A_598] : memref<819200x64xf32, #tpu.memory_space<hbm>> -> memref<512x64xf32, #tpu.memory_space<hbm>>
    %dma_start3A_600 = arith.constant 0 : i32
    %dma_start3A_601 = tpu.memref_slice %arg4[%mul3A_592, %dma_start3A_600] : memref<819200x64xf32, #tpu.memory_space<hbm>> -> memref<512x64xf32, #tpu.memory_space<hbm>>
    %dma_start3A_602 = arith.constant 0 : i32
    %dma_start3A_603 = arith.constant 0 : i32
    %dma_start3A_604 = tpu.memref_slice %arg6[%dma_start3A_593, %dma_start3A_602, %dma_start3A_603] : memref<3x512x64xf32, #tpu.memory_space<vmem>> -> memref<1x512x64xf32, #tpu.memory_space<vmem>>
    %dma_start3A_605 = tpu.memref_squeeze %dma_start3A_604 : memref<1x512x64xf32, #tpu.memory_space<vmem>> -> memref<512x64xf32, #tpu.memory_space<vmem>>
    tpu.enqueue_dma source(%dma_start3A_605 : memref<512x64xf32, #tpu.memory_space<vmem>>) target(%dma_start3A_601 : memref<512x64xf32, #tpu.memory_space<hbm>>) target_semaphore(%arg11 : memref<!tpu.dma_semaphore, #tpu.memory_space<semaphore_mem>>)
    %add3A_606 = arith.constant 188 : i32
    %add3A_607 = arith.addi %mul3A_2, %add3A_606 : i32
    %mul3A_608 = arith.constant 128 : i32
    %mul3A_609 = arith.muli %add3A_607, %mul3A_608 : i32
    %dma_wait3A_610 = arith.constant 2 : i32
    %dma_wait3A_611 = arith.constant 0 : i32
    %dma_wait3A_612 = arith.constant 0 : i32
    %dma_wait3A_613 = tpu.memref_slice %arg6[%dma_wait3A_610, %dma_wait3A_611, %dma_wait3A_612] : memref<3x512x64xf32, #tpu.memory_space<vmem>> -> memref<1x512x64xf32, #tpu.memory_space<vmem>>
    %dma_wait3A_614 = tpu.memref_squeeze %dma_wait3A_613 : memref<1x512x64xf32, #tpu.memory_space<vmem>> -> memref<512x64xf32, #tpu.memory_space<vmem>>
    %dma_wait3A_615 = arith.constant 0 : i32
    %dma_wait3A_616 = tpu.memref_slice %arg4[%mul3A_609, %dma_wait3A_615] : memref<819200x64xf32, #tpu.memory_space<hbm>> -> memref<512x64xf32, #tpu.memory_space<hbm>>
    %dma_wait3A_617 = arith.constant 0 : i32
    %dma_wait3A_618 = tpu.memref_slice %arg4[%mul3A_609, %dma_wait3A_617] : memref<819200x64xf32, #tpu.memory_space<hbm>> -> memref<512x64xf32, #tpu.memory_space<hbm>>
    %dma_wait3A_619 = arith.constant 0 : i32
    %dma_wait3A_620 = arith.constant 0 : i32
    %dma_wait3A_621 = tpu.memref_slice %arg6[%dma_wait3A_610, %dma_wait3A_619, %dma_wait3A_620] : memref<3x512x64xf32, #tpu.memory_space<vmem>> -> memref<1x512x64xf32, #tpu.memory_space<vmem>>
    %dma_wait3A_622 = tpu.memref_squeeze %dma_wait3A_621 : memref<1x512x64xf32, #tpu.memory_space<vmem>> -> memref<512x64xf32, #tpu.memory_space<vmem>>
    tpu.wait_dma2 semaphore(%arg12 : memref<!tpu.dma_semaphore, #tpu.memory_space<semaphore_mem>>) src(%dma_wait3A_622 : memref<512x64xf32, #tpu.memory_space<vmem>>) dst(%dma_wait3A_618 : memref<512x64xf32, #tpu.memory_space<hbm>>)
    %add3A_623 = arith.constant 192 : i32
    %add3A_624 = arith.addi %mul3A_2, %add3A_623 : i32
    %mul3A_625 = arith.constant 128 : i32
    %mul3A_626 = arith.muli %add3A_624, %mul3A_625 : i32
    %dma_wait3A_627 = arith.constant 0 : i32
    %dma_wait3A_628 = arith.constant 0 : i32
    %dma_wait3A_629 = arith.constant 0 : i32
    %dma_wait3A_630 = tpu.memref_slice %arg6[%dma_wait3A_627, %dma_wait3A_628, %dma_wait3A_629] : memref<3x512x64xf32, #tpu.memory_space<vmem>> -> memref<1x512x64xf32, #tpu.memory_space<vmem>>
    %dma_wait3A_631 = tpu.memref_squeeze %dma_wait3A_630 : memref<1x512x64xf32, #tpu.memory_space<vmem>> -> memref<512x64xf32, #tpu.memory_space<vmem>>
    %dma_wait3A_632 = arith.constant 0 : i32
    %dma_wait3A_633 = tpu.memref_slice %arg4[%mul3A_626, %dma_wait3A_632] : memref<819200x64xf32, #tpu.memory_space<hbm>> -> memref<512x64xf32, #tpu.memory_space<hbm>>
    %dma_wait3A_634 = arith.constant 0 : i32
    %dma_wait3A_635 = tpu.memref_slice %arg4[%mul3A_626, %dma_wait3A_634] : memref<819200x64xf32, #tpu.memory_space<hbm>> -> memref<512x64xf32, #tpu.memory_space<hbm>>
    %dma_wait3A_636 = arith.constant 0 : i32
    %dma_wait3A_637 = arith.constant 0 : i32
    %dma_wait3A_638 = tpu.memref_slice %arg6[%dma_wait3A_627, %dma_wait3A_636, %dma_wait3A_637] : memref<3x512x64xf32, #tpu.memory_space<vmem>> -> memref<1x512x64xf32, #tpu.memory_space<vmem>>
    %dma_wait3A_639 = tpu.memref_squeeze %dma_wait3A_638 : memref<1x512x64xf32, #tpu.memory_space<vmem>> -> memref<512x64xf32, #tpu.memory_space<vmem>>
    tpu.wait_dma2 semaphore(%arg10 : memref<!tpu.dma_semaphore, #tpu.memory_space<semaphore_mem>>) src(%dma_wait3A_639 : memref<512x64xf32, #tpu.memory_space<vmem>>) dst(%dma_wait3A_635 : memref<512x64xf32, #tpu.memory_space<hbm>>)
    %add3A_640 = arith.constant 196 : i32
    %add3A_641 = arith.addi %mul3A_2, %add3A_640 : i32
    %mul3A_642 = arith.constant 128 : i32
    %mul3A_643 = arith.muli %add3A_641, %mul3A_642 : i32
    %dma_wait3A_644 = arith.constant 1 : i32
    %dma_wait3A_645 = arith.constant 0 : i32
    %dma_wait3A_646 = arith.constant 0 : i32
    %dma_wait3A_647 = tpu.memref_slice %arg6[%dma_wait3A_644, %dma_wait3A_645, %dma_wait3A_646] : memref<3x512x64xf32, #tpu.memory_space<vmem>> -> memref<1x512x64xf32, #tpu.memory_space<vmem>>
    %dma_wait3A_648 = tpu.memref_squeeze %dma_wait3A_647 : memref<1x512x64xf32, #tpu.memory_space<vmem>> -> memref<512x64xf32, #tpu.memory_space<vmem>>
    %dma_wait3A_649 = arith.constant 0 : i32
    %dma_wait3A_650 = tpu.memref_slice %arg4[%mul3A_643, %dma_wait3A_649] : memref<819200x64xf32, #tpu.memory_space<hbm>> -> memref<512x64xf32, #tpu.memory_space<hbm>>
    %dma_wait3A_651 = arith.constant 0 : i32
    %dma_wait3A_652 = tpu.memref_slice %arg4[%mul3A_643, %dma_wait3A_651] : memref<819200x64xf32, #tpu.memory_space<hbm>> -> memref<512x64xf32, #tpu.memory_space<hbm>>
    %dma_wait3A_653 = arith.constant 0 : i32
    %dma_wait3A_654 = arith.constant 0 : i32
    %dma_wait3A_655 = tpu.memref_slice %arg6[%dma_wait3A_644, %dma_wait3A_653, %dma_wait3A_654] : memref<3x512x64xf32, #tpu.memory_space<vmem>> -> memref<1x512x64xf32, #tpu.memory_space<vmem>>
    %dma_wait3A_656 = tpu.memref_squeeze %dma_wait3A_655 : memref<1x512x64xf32, #tpu.memory_space<vmem>> -> memref<512x64xf32, #tpu.memory_space<vmem>>
    tpu.wait_dma2 semaphore(%arg11 : memref<!tpu.dma_semaphore, #tpu.memory_space<semaphore_mem>>) src(%dma_wait3A_656 : memref<512x64xf32, #tpu.memory_space<vmem>>) dst(%dma_wait3A_652 : memref<512x64xf32, #tpu.memory_space<hbm>>)
    return
  }
}

</mosaic_0001>

<sc_bundles>
// kernel: kernel.3.cloned.1.call-start
scs
__scs_entry_jumppad:
0x0: {  	(pc) =	sbr.rel $0x88, $3  }
0x1: {  	(tag) =	ssettag $0x0;
	lr =	simm.s32 $0x1  }
0x2: {  	[smem:$0x3F9F] =	sst lr;
	_ =	strace $0xD0000000  }
0x3: {  	_ = 	snop  }
0x4: {  	_ = 	snop  }
0x5: {  	_ = 	snop  }
0x6: {  	_ = 	snop  }
0x7: {  	_ = 	snop  }
__scs_overlays_trampoline_lowered:
0x8: {  	[smem:$0x3FAE] =	sst s0  }
0x9: {  	[smem:$0x3FAF] =	sst s1  }
0xa: {  	[smem:$0x3FB0] =	sst s2  }
0xb: {  	[smem:$0x3FB1] =	sst s3  }
0xc: {  	[smem:$0x3FB2] =	sst s4  }
0xd: {  	[smem:$0x3FB3] =	sst s5  }
0xe: {  	[smem:$0x3FB4] =	sst s6  }
0xf: {  	[smem:$0x3FB5] =	sst s7  }
0x10: {  	[smem:$0x3FB6] =	sst s8  }
0x11: {  	[smem:$0x3FB7] =	sst s9;
	s0 =	simm.s32 @!p0 $0x0  }
0x12: {  	s1 =	sld [smem:$0x3F9D];
	s0 =	simm.s32 @p0 $0x1  }
0x13: {  	[smem:$0x3FB8] =	sst s0;
	s0 =	simm.s32 @!p1 $0x0  }
0x14: {  	s2 =	sld [smem:$0x3F9C];
	s0 =	simm.s32 @p1 $0x1  }
0x15: {  	[smem:$0x3FB9] =	sst s0;
	s0 =	simm.s32 @!p2 $0x0  }
0x16: {  	s3 =	sld [smem:$0x3FDB];
	s0 =	simm.s32 @p2 $0x1  }
0x17: {  	s4 =	simm.s32 $0x1BF5;
	[smem:$0x3FBB] =	sst s0  }
0x18: {  	s0 =	sld [smem:$0x3F9E];
	_ =	swait.ge [sflag:s4], $0x0  }
0x19: {  	s7 =	sld [smem:$0x3F9F]  }
0x1a: {  	s8 =	sadd.s32 $0xFFFFE003, lr  }
0x1b: {  	s9 =	sadd.s32 $0xFFFFFEF7, lr;
	s5 =	simm.s32 $0xFFFFFFFF;
	p2 =	slt.u32 s8, $0xFFFFF086  }
0x1c: {  	p1 =	slt.u32 s9, $0xF7A;
	s5 =	simm.s32 @!p2 $0x0  }
0x1d: {  	s5 =	simm.s32 @p1 $0x1;
	p0 =	seq.s32 s7, s2  }
0x1e: {  	s7 =	smul.u32 @!p0 $0xF7A, s2;
	p2 =	seq.s32 @!p0 s5, $0x0  }
0x1f: {  	s9 =	smul.u32 $0xF7A, s1;
	s8 =	simm.s32 @!p0 $0x1BF5;
	p2 =	por !p2, p0  }
0x20: {  	[sflag:s8] =	ssyncset.s32 @!p0 $0xFFFFF086;
	s6 =	sadd.s32 @!p0 s3, s7;
	s7 =	simm.s32 @!p0 $0x108  }
0x21: {  	s3 =	sadd.s32 s3, s9;
	s6 =	sadd.s32 @!p0 $0x88, s6;
	s7 =	simm.s32 @p2 $0x1082  }
0x22: {  	[simem:s7], [sflag:s8] =	dma.local @!p0 [hbm:s6], $0xF7A  }
0x23: {  	s9 =	sor.u32 $0xD0000000, s2;
	s6 =	simm.s32 $0x108;
	_ =	swait.ge @!p0 [sflag:s8], $0x0  }
0x24: {  	s3 =	sadd.s32 $0x88, s3;
	s6 =	simm.s32 @!p1 $0x1082;
	[sflag:s4] =	ssyncset.s32 $0xFFFFF086  }
0x25: {  	[simem:s6], [sflag:s4] =	dma.local [hbm:s3], $0xF7A  }
0x26: {  	[smem:$0x3F9F] =	sst s1;
	(tag) =	ssettag s2;
	_ =	strace s9  }
0x27: {  	s1 =	sld [smem:$0x3FAF]  }
0x28: {  	s2 =	sld [smem:$0x3FB0]  }
0x29: {  	s4 =	sld [smem:$0x3FB2]  }
0x2a: {  	p0 =	seq.s32 s5, $0x0;
	s5 =	sld [smem:$0x3FB3]  }
0x2b: {  	s6 =	sld [smem:$0x3FB4]  }
0x2c: {  	s7 =	sld [smem:$0x3FB5]  }
0x2d: {  	s3 =	simm.s32 $0x108;
	s8 =	sld [smem:$0x3FB6]  }
0x2e: {  	s3 =	simm.s32 @!p0 $0x1082;
	s9 =	sld [smem:$0x3FB7]  }
0x2f: {  	lr =	sadd.s32 s0, s3;
	s0 =	sld [smem:$0x3FAE]  }
0x30: {  	s3 =	sld [smem:$0x3FB1]  }
0x31: {  	[smem:$0x3FBA] =	sst s10  }
0x32: {  	s10 =	sld [smem:$0x3FB8];
	_ =	sdelay $0x3  }
0x33: {  	p0 =	seq.s32 s10, $0x1;
	s10 =	sld [smem:$0x3FBA];
	_ =	sdelay $0x3  }
0x34: {  	[smem:$0x3FBA] =	sst s10  }
0x35: {  	s10 =	sld [smem:$0x3FB9];
	_ =	sdelay $0x3  }
0x36: {  	p1 =	seq.s32 s10, $0x1;
	s10 =	sld [smem:$0x3FBA];
	_ =	sdelay $0x3  }
0x37: {  	[smem:$0x3FBA] =	sst s10  }
0x38: {  	s10 =	sld [smem:$0x3FBB]  }
0x39: {  	_ = 	snop;
	(pc) =	sbr.ind lr, $3  }
0x3a: {  	_ = 	snop  }
0x3b: {  	_ = 	snop  }
0x3c: {  	p2 =	seq.s32 s10, $0x1;
	s10 =	sld [smem:$0x3FBA]  }
0x3d: {  	_ =	shalt  }
0x3e: {  	_ =	shalt  }
0x3f: {  	_ =	shalt  }
0x40: {  	_ =	shalt  }
0x41: {  	_ =	shalt  }
0x42: {  	_ =	shalt  }
0x43: {  	_ =	shalt  }
0x44: {  	_ =	shalt  }
0x45: {  	_ =	shalt  }
0x46: {  	_ =	shalt  }
0x47: {  	_ =	shalt  }
0x48: {  	_ =	shalt  }
0x49: {  	_ =	shalt  }
0x4a: {  	_ =	shalt  }
0x4b: {  	_ =	shalt  }
0x4c: {  	_ =	shalt  }
0x4d: {  	_ =	shalt  }
0x4e: {  	_ =	shalt  }
0x4f: {  	_ =	shalt  }
0x50: {  	_ =	shalt  }
0x51: {  	_ =	shalt  }
0x52: {  	_ =	shalt  }
0x53: {  	_ =	shalt  }
0x54: {  	_ =	shalt  }
0x55: {  	_ =	shalt  }
0x56: {  	_ =	shalt  }
0x57: {  	_ =	shalt  }
0x58: {  	_ =	shalt  }
0x59: {  	_ =	shalt  }
0x5a: {  	_ =	shalt  }
0x5b: {  	_ =	shalt  }
0x5c: {  	_ =	shalt  }
0x5d: {  	_ =	shalt  }
0x5e: {  	_ =	shalt  }
0x5f: {  	_ =	shalt  }
0x60: {  	_ =	shalt  }
0x61: {  	_ =	shalt  }
0x62: {  	_ =	shalt  }
0x63: {  	_ =	shalt  }
0x64: {  	_ =	shalt  }
0x65: {  	_ =	shalt  }
0x66: {  	_ =	shalt  }
0x67: {  	_ =	shalt  }
0x68: {  	_ =	shalt  }
0x69: {  	_ =	shalt  }
0x6a: {  	_ =	shalt  }
0x6b: {  	_ =	shalt  }
0x6c: {  	_ =	shalt  }
0x6d: {  	_ =	shalt  }
0x6e: {  	_ =	shalt  }
0x6f: {  	_ =	shalt  }
0x70: {  	_ =	shalt  }
0x71: {  	_ =	shalt  }
0x72: {  	_ =	shalt  }
0x73: {  	_ =	shalt  }
0x74: {  	_ =	shalt  }
0x75: {  	_ =	shalt  }
0x76: {  	_ =	shalt  }
0x77: {  	_ =	shalt  }
0x78: {  	_ =	shalt  }
0x79: {  	_ =	shalt  }
0x7a: {  	_ =	shalt  }
0x7b: {  	_ =	shalt  }
0x7c: {  	_ =	shalt  }
0x7d: {  	_ =	shalt  }
0x7e: {  	_ =	shalt  }
0x7f: {  	_ =	shalt  }
0x80: {  	_ =	shalt  }
0x81: {  	_ =	shalt  }
0x82: {  	_ =	shalt  }
0x83: {  	_ =	shalt  }
0x84: {  	_ =	shalt  }
0x85: {  	_ =	shalt  }
0x86: {  	_ =	shalt  }
0x87: {  	_ =	shalt  }
.Lfunc_end0:
.L_simem_size_0:
called_computation.1_lowered:
.L_overlay_start_0:
0x88: {  	s2 =	sld [smem:$0x3FD9]  }
0x89: {  	s3 =	sld [smem:$0x3FFE];
	_ =	sdelay $0x1  }
0x8a: {  	s1 =	srdreg.scid  }
0x8b: {  	s0 =	sand.u32 $0x1, s1  }
0x8c: {  	s17 =	sshll.u32 s0, $0xA;
	s2 =	sadd.s32 s3, s2  }
0x8d: {  	s2 =	sadd.s32 s2, s17  }
0x8e: {  	[smem:$0x3FC6] =	sst s2  }
0x8f: {  	_ = 	snop  }
0x90: {  	s2 =	sld [smem:$0x3FD0];
	(tm) =	ssettm $0x1  }
0x91: {  	s18 =	sld [smem:$0x3FFB];
	_ =	sdelay $0x3  }
0x92: {  	_ =	strace s18  }
0x93: {  	s3 =	sld [smem:$0x3FFC];
	_ =	sdelay $0x3  }
0x94: {  	_ =	strace s3  }
0x95: {  	s3 =	sld [smem:$0x3FFD];
	_ =	sdelay $0x3  }
0x96: {  	_ =	strace s3  }
0x97: {  	_ =	strace $0x8FFFFFFF  }
0x98: {  	s19 =	sld [smem:$0x3FDB];
	_ =	sdelay $0x1  }
0x99: {  	s4 =	simm.s32 $_scs_section_size  }
0x9a: {  	s5 =	simm.s32 $_size__tile_overlayer_lowered;
	s6 =	simm.s32 $_tile_overlayer_lowered  }
0x9b: {  	s22 =	simm.s32 $0x1BFF;
	s21 =	sshll.u32 s6, $0x1;
	s3 =	sadd.s32 s4, s19  }
0x9c: {  	s7 =	simm.s32 $0x0;
	s20 =	sshll.u32 s5, $0x1;
	s5 =	sadd.s32 s21, s3  }
0x9d: {  	[timem:s7], [sflag:s22] =	dma.local [hbm:s5], s20  }
0x9e: {  	_ =	swait.ge [sflag:s22], s20  }
0x9f: {  	s4 =	ssub.s32 $0x0, s20;
	[sflag:s22] =	ssyncset.done $0x0  }
0xa0: {  	[sflag:s22] =	ssyncadd.s32 s4;
	_ =	sdelay $0x1  }
0xa1: {  	s23 =	simm.s32 $0x1B8B  }
0xa2: {  	_ =	swait.ge [sflag:s23], $0x1  }
0xa3: {  	[sflag:s23] =	ssyncset.done $0x0  }
0xa4: {  	s25 =	simm.s32 $0x1B8E;
	s24 =	sld [smem:$0x3FFE];
	[sflag:s23] =	ssyncadd.s32 $0xFFFFFFFF  }
0xa5: {  	s26 =	simm.s32 $execute0_lowered;
	[smem:$0x3FD2] =	sst s25  }
0xa6: {  	s5 =	sshll.u32 s26, $0x1;
	_ =	strace $0x80000046;
	[dreg:$0x1] =	wrdreg $0xFFFFFFFF  }
0xa7: {  	s28 =	simm.s32 $_size_execute0_lowered;
	s3 =	sadd.s32 s3, s5;
	[dreg:$0x0] =	wrdreg $0x0  }
0xa8: {  	s5 =	sshll.u32 s28, $0x1;
	[dreg:$0x2] =	wrdreg s3  }
0xa9: {  	[dreg:$0x3] =	wrdreg s5  }
0xaa: {  	[dreg:$0x4] =	wrdreg $0xC0  }
0xab: {  	_ =	task [dreg:s7], $0x5FFFF  }
0xac: {  	[dreg:$0x1] =	wrdreg $0xFFFFFFFF  }
0xad: {  	[dreg:$0x0] =	wrdreg $0x60  }
0xae: {  	[dreg:$0x2] =	wrdreg s24  }
0xaf: {  	[dreg:$0x3] =	wrdreg s2  }
0xb0: {  	[dreg:$0x4] =	wrdreg $0x9  }
0xb1: {  	_ =	task.clear_ibuf [dreg:s7], $0x5FFFF;
	_ =	strace $0x90000046  }
0xb2: {  	s29 =	simm.s32 $0x9;
	_ =	strace $0x80000048  }
0xb3: {  	_ =	swait.ge [sflag:s29], $0x1  }
0xb4: {  	[sflag:s29] =	ssyncadd.s32 $0xFFFFFFFF  }
0xb5: {  	_ =	strace $0x90000048  }
0xb6: {  	_ =	sfence  }
0xb7: {  	s30 =	sld [smem:$0x0];
	_ =	sdelay $0x2  }
0xb8: {  	s31 =	sshll.u32 s1, $0xD;
	s1 =	sshrl.u32 s1, $0x2  }
0xb9: {  	s3 =	sand.u32 $0x4000, s31;
	s1 =	sadd.s32 s1, s30  }
0xba: {  	s0 =	sor.u32 s3, s0;
	s1 =	sshll.u32 s1, $0x11  }
0xbb: {  	s0 =	sor.u32 s1, s0  }
0xbc: {  	s0 =	sadd.s32 $0x8F2B, s0  }
0xbd: {  	[sflag:s0] =	ssyncadd.remote.s32 $0x1  }
0xbe: {  	_ =	sfence.sel $0xFFFF  }
0xbf: {  	[dreg:$0x0] =	wrdreg $0xFFFFFFFF;
	(pc) =	sbr.abs _section_cstart, $3  }
0xc0: {  	[dreg:$0x1] =	wrdreg $0xFFFFFFFF  }
0xc1: {  	_ =	task.clear_ibuf [dreg:s7], $0x2FFFF;
	_ =	strace $0x9FFFFFFF  }
0xc2: {  	(tm) =	ssettm $0x7FFFFFFF  }
0xc3: {  	_ =	shalt  }
tec
execute0_lowered:
.L_overlay_start_1:
0x0: {  	(tag) =	ssettag $0x1  }
0x1: {  	s0 =	srdreg.scid;
	s1 =	rddreg [dreg:$0x0]  }
0x2: {  	s8 =	stileid.u32;
	s4 =	rddreg [dreg:$0x1];
	s15 =	simm.s32 $0x80  }
0x3: {  	s16 =	simm.s32 $0x6400;
	s17 =	simm.s32 $0x8400;
	s19 =	simm.s32 $0xA400  }
0x4: {  	s21 =	simm.s32 $0xC400;
	s28 =	simm.s32 $0x12400;
	s30 =	simm.s32 $0x14400  }
0x5: {  	s0 =	sand.u32 $0x1, s0;
	s2 =	sshll.u32 s8, $0x1;
	s8 =	smul.u32 $0x190, s8  }
0x6: {  	s3 =	sor.u32 s0, s2;
	s22 =	ssub.s32 $0x2, s0;
	s0 =	smul.u32 $0xC8, s0  }
0x7: {  	s31 =	simm.s32 $0x1;
	s20 =	simm.s32 $0x18400;
	s5 =	smul.u32 $0xC80, s3  }
0x8: {  	s29 =	simm.s32 $0x1C400;
	s2 =	simm.s32 $0x0;
	s6 =	smul.u32 $0x32000, s3  }
0x9: {  	s18 =	simm.s32 $0x4;
	[smem:$0x7FF] =	sst s2;
	s7 =	smul.u32 $0x190000, s3  }
0xa: {  	s3 =	sadd.s32 $0xF42E00, s1;
	s9 =	sshrl.u32 s22, $0x1;
	_ =	strace $0x80000047  }
0xb: {  	s0 =	sadd.s32 s0, s8;
	s5 =	sadd.s32 s5, s1;
	s7 =	sshrl.u32 s7, $0x3  }
0xc: {  	s1 =	ssub.s32 s22, s9;
	s6 =	sadd.s32 s4, s6;
	s0 =	sshll.u32 s0, $0xA  }
0xd: {  	s22 =	simm.s32 $0x3;
	s5 =	sadd.s32 $0xA00, s5;
	s23 =	sadd.s32 s4, s7  }
0xe: {  	[dreg:$0x4] =	wrdreg s6;
	s1 =	smax.u32 s1, $0x1;
	s0 =	sadd.s32 s4, s0  }
0xf: {  	s4 =	simm.s32 $0x6;
	[dreg:$0x3] =	wrdreg s5;
	s24 =	sadd.s32 $0x2E000, s23  }
0x10: {  	s25 =	sadd.s32 $0x2F000, s23;
	s26 =	sadd.s32 $0x30000, s23;
	[dreg:$0x9] =	wrdreg s1  }
0x11: {  	s5 =	sadd.s32 $0x31000, s23;
	s11 =	sadd.s32 $0x2000, s0;
	[dreg:$0x5] =	wrdreg s24  }
0x12: {  	s12 =	sadd.s32 $0x1000, s0;
	s13 =	sadd.s32 $0x3000, s0;
	[dreg:$0x6] =	wrdreg s25  }
0x13: {  	s23 =	simm.s32 $0xE400;
	s0 =	simm.s32 $0x16400;
	[dreg:$0x7] =	wrdreg s26  }
0x14: {  	s1 =	simm.s32 $0x2;
	[dreg:$0x8] =	wrdreg s5;
	s25 =	simm.s32 $0x10400  }
0x15: {  	s24 =	simm.s32 $0x1A400;
	s26 =	simm.s32 $0x5;
	s5 =	simm.s32 $0x0  }
.LBB2_1:
0x16: {  	s6 =	rddreg [dreg:$0x3];
	s9 =	simm.s32 $0x7  }
0x17: {  	[tilespmem:s2], [sflag:$0x7] =	stream.linear.gather [hbm4b:s6+s2], $0x6400, $0x38;
	[tilespmem:$0x1E400] =	vst v63  }
0x18: {  	_ =	swait.ge [sflag:s9], $0x6400  }
0x19: {  	[sflag:s9] =	ssyncset.done $0x0  }
0x1a: {  	[sflag:s9] =	ssyncadd.s32 $0xFFFF9C00  }
0x1b: {  	[tilespmem:s16], [sflag:$0x1] =	stream.indirect.gather [hbm4b:s3+s15], $0x40, s2, s15, $0xb8;
	[tilespmem:$0x1E400] =	vst v63  }
0x1c: {  	_ = 	snop  }
0x1d: {  	[tilespmem:s17], [sflag:$0x1] =	stream.indirect.gather [hbm4b:s3+s15], $0x40, s15, s15, $0xb8;
	[tilespmem:$0x1E400] =	vst v63  }
0x1e: {  	s10 =	simm.s32 $0x100  }
0x1f: {  	[tilespmem:s19], [sflag:$0x1] =	stream.indirect.gather [hbm4b:s3+s15], $0x40, s10, s15, $0xb8;
	[tilespmem:$0x1E400] =	vst v63  }
0x20: {  	s14 =	simm.s32 $0x180  }
0x21: {  	[tilespmem:s21], [sflag:$0x1] =	stream.indirect.gather [hbm4b:s3+s15], $0x40, s14, s15, $0xb8;
	[tilespmem:$0x1E400] =	vst v63  }
0x22: {  	s7 =	simm.s32 $0x200  }
0x23: {  	[tilespmem:s23], [sflag:$0x2] =	stream.indirect.gather [hbm4b:s3+s15], $0x40, s7, s15, $0xb8;
	[tilespmem:$0x1E400] =	vst v63  }
0x24: {  	s8 =	simm.s32 $0x280  }
0x25: {  	[tilespmem:s25], [sflag:$0x2] =	stream.indirect.gather [hbm4b:s3+s15], $0x40, s8, s15, $0xb8;
	[tilespmem:$0x1E400] =	vst v63  }
0x26: {  	s9 =	simm.s32 $0x300  }
0x27: {  	[tilespmem:s28], [sflag:$0x2] =	stream.indirect.gather [hbm4b:s3+s15], $0x40, s9, s15, $0xb8;
	[tilespmem:$0x1E400] =	vst v63  }
0x28: {  	s10 =	simm.s32 $0x380  }
0x29: {  	[tilespmem:s30], [sflag:$0x2] =	stream.indirect.gather [hbm4b:s3+s15], $0x40, s10, s15, $0xb8;
	[tilespmem:$0x1E400] =	vst v63  }
0x2a: {  	_ =	swait.ge [sflag:s31], $0x2000  }
0x2b: {  	[sflag:s31] =	ssyncset.done $0x0  }
0x2c: {  	[sflag:s31] =	ssyncadd.s32 $0xFFFFE000  }
0x2d: {  	_ =	swait.ge [sflag:s31], $0x2000  }
0x2e: {  	[sflag:s31] =	ssyncset.done $0x0  }
0x2f: {  	[sflag:s31] =	ssyncadd.s32 $0xFFFFE000  }
0x30: {  	_ =	swait.ge [sflag:s31], $0x2000  }
0x31: {  	[sflag:s31] =	ssyncset.done $0x0  }
0x32: {  	[sflag:s31] =	ssyncadd.s32 $0xFFFFE000  }
0x33: {  	_ =	swait.ge [sflag:s31], $0x2000  }
0x34: {  	[sflag:s31] =	ssyncset.done $0x0  }
0x35: {  	s14 =	rddreg [dreg:$0x4];
	[sflag:s31] =	ssyncadd.s32 $0xFFFFE000  }
0x36: {  	[hbm4b:s14+s2] =	stream.linear.scatter [tilespmem:s16], [sflag:$0x4], $0x8000, $0x38;
	[tilespmem:$0x1E400] =	vst v63  }
0x37: {  	s7 =	simm.s32 $0x400  }
0x38: {  	[tilespmem:s0], [sflag:$0x3] =	stream.indirect.gather [hbm4b:s3+s15], $0x40, s7, s15, $0xb8;
	[tilespmem:$0x1E400] =	vst v63  }
0x39: {  	s8 =	simm.s32 $0x480  }
0x3a: {  	[tilespmem:s20], [sflag:$0x3] =	stream.indirect.gather [hbm4b:s3+s15], $0x40, s8, s15, $0xb8;
	[tilespmem:$0x1E400] =	vst v63  }
0x3b: {  	s9 =	simm.s32 $0x500  }
0x3c: {  	[tilespmem:s24], [sflag:$0x3] =	stream.indirect.gather [hbm4b:s3+s15], $0x40, s9, s15, $0xb8;
	[tilespmem:$0x1E400] =	vst v63  }
0x3d: {  	s10 =	simm.s32 $0x580  }
0x3e: {  	[tilespmem:s29], [sflag:$0x3] =	stream.indirect.gather [hbm4b:s3+s15], $0x40, s10, s15, $0xb8;
	[tilespmem:$0x1E400] =	vst v63  }
0x3f: {  	_ =	swait.ge [sflag:s1], $0x2000  }
0x40: {  	[sflag:s1] =	ssyncset.done $0x0  }
0x41: {  	[sflag:s1] =	ssyncadd.s32 $0xFFFFE000  }
0x42: {  	_ =	swait.ge [sflag:s1], $0x2000  }
0x43: {  	[sflag:s1] =	ssyncset.done $0x0  }
0x44: {  	[sflag:s1] =	ssyncadd.s32 $0xFFFFE000  }
0x45: {  	_ =	swait.ge [sflag:s1], $0x2000  }
0x46: {  	[sflag:s1] =	ssyncset.done $0x0  }
0x47: {  	[sflag:s1] =	ssyncadd.s32 $0xFFFFE000  }
0x48: {  	_ =	swait.ge [sflag:s1], $0x2000  }
0x49: {  	[sflag:s1] =	ssyncset.done $0x0  }
0x4a: {  	[sflag:s1] =	ssyncadd.s32 $0xFFFFE000  }
0x4b: {  	[hbm4b:s12+s2] =	stream.linear.scatter [tilespmem:s23], [sflag:$0x5], $0x8000, $0x38;
	[tilespmem:$0x1E400] =	vst v63  }
0x4c: {  	_ =	swait.ge [sflag:s18], $0x8000  }
0x4d: {  	[sflag:s18] =	ssyncset.done $0x0  }
0x4e: {  	s14 =	simm.s32 $0x600;
	[sflag:s18] =	ssyncadd.s32 $0xFFFF8000  }
0x4f: {  	[tilespmem:s16], [sflag:$0x1] =	stream.indirect.gather [hbm4b:s3+s15], $0x40, s14, s15, $0xb8;
	[tilespmem:$0x1E400] =	vst v63  }
0x50: {  	s7 =	simm.s32 $0x680  }
0x51: {  	[tilespmem:s17], [sflag:$0x1] =	stream.indirect.gather [hbm4b:s3+s15], $0x40, s7, s15, $0xb8;
	[tilespmem:$0x1E400] =	vst v63  }
0x52: {  	s8 =	simm.s32 $0x700  }
0x53: {  	[tilespmem:s19], [sflag:$0x1] =	stream.indirect.gather [hbm4b:s3+s15], $0x40, s8, s15, $0xb8;
	[tilespmem:$0x1E400] =	vst v63  }
0x54: {  	s9 =	simm.s32 $0x780  }
0x55: {  	[tilespmem:s21], [sflag:$0x1] =	stream.indirect.gather [hbm4b:s3+s15], $0x40, s9, s15, $0xb8;
	[tilespmem:$0x1E400] =	vst v63  }
0x56: {  	_ =	swait.ge [sflag:s22], $0x2000  }
0x57: {  	[sflag:s22] =	ssyncset.done $0x0  }
0x58: {  	[sflag:s22] =	ssyncadd.s32 $0xFFFFE000  }
0x59: {  	_ =	swait.ge [sflag:s22], $0x2000  }
0x5a: {  	[sflag:s22] =	ssyncset.done $0x0  }
0x5b: {  	[sflag:s22] =	ssyncadd.s32 $0xFFFFE000  }
0x5c: {  	_ =	swait.ge [sflag:s22], $0x2000  }
0x5d: {  	[sflag:s22] =	ssyncset.done $0x0  }
0x5e: {  	[sflag:s22] =	ssyncadd.s32 $0xFFFFE000  }
0x5f: {  	_ =	swait.ge [sflag:s22], $0x2000  }
0x60: {  	[sflag:s22] =	ssyncset.done $0x0  }
0x61: {  	[sflag:s22] =	ssyncadd.s32 $0xFFFFE000  }
0x62: {  	[hbm4b:s11+s2] =	stream.linear.scatter [tilespmem:s0], [sflag:$0x6], $0x8000, $0x38;
	[tilespmem:$0x1E400] =	vst v63  }
0x63: {  	_ =	swait.ge [sflag:s26], $0x8000  }
0x64: {  	[sflag:s26] =	ssyncset.done $0x0  }
0x65: {  	s10 =	simm.s32 $0x800;
	[sflag:s26] =	ssyncadd.s32 $0xFFFF8000  }
0x66: {  	[tilespmem:s23], [sflag:$0x2] =	stream.indirect.gather [hbm4b:s3+s15], $0x40, s10, s15, $0xb8;
	[tilespmem:$0x1E400] =	vst v63  }
0x67: {  	s14 =	simm.s32 $0x880  }
0x68: {  	[tilespmem:s25], [sflag:$0x2] =	stream.indirect.gather [hbm4b:s3+s15], $0x40, s14, s15, $0xb8;
	[tilespmem:$0x1E400] =	vst v63  }
0x69: {  	s7 =	simm.s32 $0x900  }
0x6a: {  	[tilespmem:s28], [sflag:$0x2] =	stream.indirect.gather [hbm4b:s3+s15], $0x40, s7, s15, $0xb8;
	[tilespmem:$0x1E400] =	vst v63  }
0x6b: {  	s8 =	simm.s32 $0x980  }
0x6c: {  	[tilespmem:s30], [sflag:$0x2] =	stream.indirect.gather [hbm4b:s3+s15], $0x40, s8, s15, $0xb8;
	[tilespmem:$0x1E400] =	vst v63  }
0x6d: {  	_ =	swait.ge [sflag:s31], $0x2000  }
0x6e: {  	[sflag:s31] =	ssyncset.done $0x0  }
0x6f: {  	[sflag:s31] =	ssyncadd.s32 $0xFFFFE000  }
0x70: {  	_ =	swait.ge [sflag:s31], $0x2000  }
0x71: {  	[sflag:s31] =	ssyncset.done $0x0  }
0x72: {  	[sflag:s31] =	ssyncadd.s32 $0xFFFFE000  }
0x73: {  	_ =	swait.ge [sflag:s31], $0x2000  }
0x74: {  	[sflag:s31] =	ssyncset.done $0x0  }
0x75: {  	[sflag:s31] =	ssyncadd.s32 $0xFFFFE000  }
0x76: {  	_ =	swait.ge [sflag:s31], $0x2000  }
0x77: {  	[sflag:s31] =	ssyncset.done $0x0  }
0x78: {  	[sflag:s31] =	ssyncadd.s32 $0xFFFFE000  }
0x79: {  	[hbm4b:s13+s2] =	stream.linear.scatter [tilespmem:s16], [sflag:$0x4], $0x8000, $0x38;
	[tilespmem:$0x1E400] =	vst v63  }
0x7a: {  	_ =	swait.ge [sflag:s4], $0x8000  }
0x7b: {  	[sflag:s4] =	ssyncset.done $0x0  }
0x7c: {  	s6 =	simm.s32 $0x1800;
	s9 =	simm.s32 $0xA00;
	[sflag:s4] =	ssyncadd.s32 $0xFFFF8000  }
0x7d: {  	[tilespmem:s0], [sflag:$0x3] =	stream.indirect.gather [hbm4b:s3+s15], $0x40, s9, s15, $0xb8;
	[tilespmem:$0x1E400] =	vst v63  }
0x7e: {  	s10 =	simm.s32 $0xA80;
	s14 =	simm.s32 $0xB00;
	s7 =	sadd.s32 $0x3000, s13  }
0x7f: {  	[tilespmem:s20], [sflag:$0x3] =	stream.indirect.gather [hbm4b:s3+s15], $0x40, s10, s15, $0xb8;
	[tilespmem:$0x1E400] =	vst v63  }
0x80: {  	s8 =	sadd.s32 $0x3000, s11;
	s9 =	sadd.s32 $0x3000, s12;
	s10 =	simm.s32 $0xB80  }
0x81: {  	[tilespmem:s24], [sflag:$0x3] =	stream.indirect.gather [hbm4b:s3+s15], $0x40, s14, s15, $0xb8;
	[tilespmem:$0x1E400] =	vst v63  }
.LBB2_2:
0x82: {  	[tilespmem:s29], [sflag:$0x3] =	stream.indirect.gather [hbm4b:s3+s15], $0x40, s10, s15, $0xb8;
	[tilespmem:$0x1E400] =	vst v63  }
0x83: {  	s10 =	smov.u32 s6  }
0x84: {  	p0 =	sne.s32 s6, $0x15000;
	s6 =	sadd.s32 $0x1800, s6;
	_ =	swait.ge [sflag:s1], $0x2000  }
0x85: {  	[sflag:s1] =	ssyncset.done $0x0  }
0x86: {  	[sflag:s1] =	ssyncadd.s32 $0xFFFFE000  }
0x87: {  	_ =	swait.ge [sflag:s1], $0x2000  }
0x88: {  	[sflag:s1] =	ssyncset.done $0x0  }
0x89: {  	[sflag:s1] =	ssyncadd.s32 $0xFFFFE000  }
0x8a: {  	_ =	swait.ge [sflag:s1], $0x2000  }
0x8b: {  	[sflag:s1] =	ssyncset.done $0x0  }
0x8c: {  	[sflag:s1] =	ssyncadd.s32 $0xFFFFE000  }
0x8d: {  	_ =	swait.ge [sflag:s1], $0x2000  }
0x8e: {  	[sflag:s1] =	ssyncset.done $0x0  }
0x8f: {  	[sflag:s1] =	ssyncadd.s32 $0xFFFFE000  }
0x90: {  	[hbm4b:s9+s2] =	stream.linear.scatter [tilespmem:s23], [sflag:$0x5], $0x8000, $0x38;
	[tilespmem:$0x1E400] =	vst v63  }
0x91: {  	_ =	swait.ge [sflag:s18], $0x8000  }
0x92: {  	s10 =	sshra.s32 s10, $0x2;
	[sflag:s18] =	ssyncset.done $0x0  }
0x93: {  	s14 =	sadd.s32 $0x600, s10;
	[sflag:s18] =	ssyncadd.s32 $0xFFFF8000  }
0x94: {  	[tilespmem:s16], [sflag:$0x1] =	stream.indirect.gather [hbm4b:s3+s15], $0x40, s14, s15, $0xb8;
	[tilespmem:$0x1E400] =	vst v63  }
0x95: {  	s14 =	sadd.s32 $0x680, s10  }
0x96: {  	[tilespmem:s17], [sflag:$0x1] =	stream.indirect.gather [hbm4b:s3+s15], $0x40, s14, s15, $0xb8;
	[tilespmem:$0x1E400] =	vst v63  }
0x97: {  	s14 =	sadd.s32 $0x700, s10  }
0x98: {  	[tilespmem:s19], [sflag:$0x1] =	stream.indirect.gather [hbm4b:s3+s15], $0x40, s14, s15, $0xb8;
	[tilespmem:$0x1E400] =	vst v63  }
0x99: {  	s14 =	sadd.s32 $0x780, s10  }
0x9a: {  	[tilespmem:s21], [sflag:$0x1] =	stream.indirect.gather [hbm4b:s3+s15], $0x40, s14, s15, $0xb8;
	[tilespmem:$0x1E400] =	vst v63  }
0x9b: {  	_ =	swait.ge [sflag:s22], $0x2000  }
0x9c: {  	[sflag:s22] =	ssyncset.done $0x0  }
0x9d: {  	[sflag:s22] =	ssyncadd.s32 $0xFFFFE000  }
0x9e: {  	_ =	swait.ge [sflag:s22], $0x2000  }
0x9f: {  	[sflag:s22] =	ssyncset.done $0x0  }
0xa0: {  	[sflag:s22] =	ssyncadd.s32 $0xFFFFE000  }
0xa1: {  	_ =	swait.ge [sflag:s22], $0x2000  }
0xa2: {  	[sflag:s22] =	ssyncset.done $0x0  }
0xa3: {  	[sflag:s22] =	ssyncadd.s32 $0xFFFFE000  }
0xa4: {  	_ =	swait.ge [sflag:s22], $0x2000  }
0xa5: {  	[sflag:s22] =	ssyncset.done $0x0  }
0xa6: {  	[sflag:s22] =	ssyncadd.s32 $0xFFFFE000  }
0xa7: {  	[hbm4b:s8+s2] =	stream.linear.scatter [tilespmem:s0], [sflag:$0x6], $0x8000, $0x38;
	[tilespmem:$0x1E400] =	vst v63  }
0xa8: {  	_ =	swait.ge [sflag:s26], $0x8000  }
0xa9: {  	[sflag:s26] =	ssyncset.done $0x0  }
0xaa: {  	s14 =	sadd.s32 $0x800, s10;
	[sflag:s26] =	ssyncadd.s32 $0xFFFF8000  }
0xab: {  	[tilespmem:s23], [sflag:$0x2] =	stream.indirect.gather [hbm4b:s3+s15], $0x40, s14, s15, $0xb8;
	[tilespmem:$0x1E400] =	vst v63  }
0xac: {  	s14 =	sadd.s32 $0x880, s10  }
0xad: {  	[tilespmem:s25], [sflag:$0x2] =	stream.indirect.gather [hbm4b:s3+s15], $0x40, s14, s15, $0xb8;
	[tilespmem:$0x1E400] =	vst v63  }
0xae: {  	s14 =	sadd.s32 $0x900, s10  }
0xaf: {  	[tilespmem:s28], [sflag:$0x2] =	stream.indirect.gather [hbm4b:s3+s15], $0x40, s14, s15, $0xb8;
	[tilespmem:$0x1E400] =	vst v63  }
0xb0: {  	s14 =	sadd.s32 $0x980, s10  }
0xb1: {  	[tilespmem:s30], [sflag:$0x2] =	stream.indirect.gather [hbm4b:s3+s15], $0x40, s14, s15, $0xb8;
	[tilespmem:$0x1E400] =	vst v63  }
0xb2: {  	_ =	swait.ge [sflag:s31], $0x2000  }
0xb3: {  	[sflag:s31] =	ssyncset.done $0x0  }
0xb4: {  	[sflag:s31] =	ssyncadd.s32 $0xFFFFE000  }
0xb5: {  	_ =	swait.ge [sflag:s31], $0x2000  }
0xb6: {  	[sflag:s31] =	ssyncset.done $0x0  }
0xb7: {  	[sflag:s31] =	ssyncadd.s32 $0xFFFFE000  }
0xb8: {  	_ =	swait.ge [sflag:s31], $0x2000  }
0xb9: {  	[sflag:s31] =	ssyncset.done $0x0  }
0xba: {  	[sflag:s31] =	ssyncadd.s32 $0xFFFFE000  }
0xbb: {  	_ =	swait.ge [sflag:s31], $0x2000  }
0xbc: {  	[sflag:s31] =	ssyncset.done $0x0  }
0xbd: {  	[sflag:s31] =	ssyncadd.s32 $0xFFFFE000  }
0xbe: {  	[hbm4b:s7+s2] =	stream.linear.scatter [tilespmem:s16], [sflag:$0x4], $0x8000, $0x38;
	[tilespmem:$0x1E400] =	vst v63  }
0xbf: {  	_ =	swait.ge [sflag:s4], $0x8000  }
0xc0: {  	[sflag:s4] =	ssyncset.done $0x0  }
0xc1: {  	s14 =	sadd.s32 $0xA00, s10;
	[sflag:s4] =	ssyncadd.s32 $0xFFFF8000  }
0xc2: {  	[tilespmem:s0], [sflag:$0x3] =	stream.indirect.gather [hbm4b:s3+s15], $0x40, s14, s15, $0xb8;
	[tilespmem:$0x1E400] =	vst v63  }
.Ltmp0:
0xc3: {  	s14 =	sadd.s32 $0xA80, s10;
	(pc) =	sbr.rel @p0 .LBB2_2-.Ltmp0, $4  }
0xc4: {  	[tilespmem:s20], [sflag:$0x3] =	stream.indirect.gather [hbm4b:s3+s15], $0x40, s14, s15, $0xb8;
	[tilespmem:$0x1E400] =	vst v63  }
0xc5: {  	s7 =	sadd.s32 $0x3000, s7;
	s14 =	sadd.s32 $0xB00, s10  }
0xc6: {  	[tilespmem:s24], [sflag:$0x3] =	stream.indirect.gather [hbm4b:s3+s15], $0x40, s14, s15, $0xb8;
	[tilespmem:$0x1E400] =	vst v63  }
0xc7: {  	s9 =	sadd.s32 $0x3000, s9;
	s8 =	sadd.s32 $0x3000, s8;
	s10 =	sadd.s32 $0xB80, s10  }
0xc8: {  	[tilespmem:s29], [sflag:$0x3] =	stream.indirect.gather [hbm4b:s3+s15], $0x40, s10, s15, $0xb8;
	[tilespmem:$0x1E400] =	vst v63  }
0xc9: {  	_ =	swait.ge [sflag:s1], $0x2000  }
0xca: {  	[sflag:s1] =	ssyncset.done $0x0  }
0xcb: {  	[sflag:s1] =	ssyncadd.s32 $0xFFFFE000  }
0xcc: {  	_ =	swait.ge [sflag:s1], $0x2000  }
0xcd: {  	[sflag:s1] =	ssyncset.done $0x0  }
0xce: {  	[sflag:s1] =	ssyncadd.s32 $0xFFFFE000  }
0xcf: {  	_ =	swait.ge [sflag:s1], $0x2000  }
0xd0: {  	[sflag:s1] =	ssyncset.done $0x0  }
0xd1: {  	[sflag:s1] =	ssyncadd.s32 $0xFFFFE000  }
0xd2: {  	_ =	swait.ge [sflag:s1], $0x2000  }
0xd3: {  	[sflag:s1] =	ssyncset.done $0x0  }
0xd4: {  	s6 =	rddreg [dreg:$0x5];
	[sflag:s1] =	ssyncadd.s32 $0xFFFFE000  }
0xd5: {  	[hbm4b:s6+s2] =	stream.linear.scatter [tilespmem:s23], [sflag:$0x5], $0x8000, $0x38;
	[tilespmem:$0x1E400] =	vst v63  }
0xd6: {  	_ =	swait.ge [sflag:s18], $0x8000  }
0xd7: {  	[sflag:s18] =	ssyncset.done $0x0  }
0xd8: {  	s10 =	simm.s32 $0x6000;
	[sflag:s18] =	ssyncadd.s32 $0xFFFF8000  }
0xd9: {  	[tilespmem:s16], [sflag:$0x1] =	stream.indirect.gather [hbm4b:s3+s15], $0x40, s10, s15, $0xb8;
	[tilespmem:$0x1E400] =	vst v63  }
0xda: {  	s14 =	simm.s32 $0x6080  }
0xdb: {  	[tilespmem:s17], [sflag:$0x1] =	stream.indirect.gather [hbm4b:s3+s15], $0x40, s14, s15, $0xb8;
	[tilespmem:$0x1E400] =	vst v63  }
0xdc: {  	s7 =	simm.s32 $0x6100  }
0xdd: {  	[tilespmem:s19], [sflag:$0x1] =	stream.indirect.gather [hbm4b:s3+s15], $0x40, s7, s15, $0xb8;
	[tilespmem:$0x1E400] =	vst v63  }
0xde: {  	s8 =	simm.s32 $0x6180  }
0xdf: {  	[tilespmem:s21], [sflag:$0x1] =	stream.indirect.gather [hbm4b:s3+s15], $0x40, s8, s15, $0xb8;
	[tilespmem:$0x1E400] =	vst v63  }
0xe0: {  	_ =	swait.ge [sflag:s22], $0x2000  }
0xe1: {  	[sflag:s22] =	ssyncset.done $0x0  }
0xe2: {  	[sflag:s22] =	ssyncadd.s32 $0xFFFFE000  }
0xe3: {  	_ =	swait.ge [sflag:s22], $0x2000  }
0xe4: {  	[sflag:s22] =	ssyncset.done $0x0  }
0xe5: {  	[sflag:s22] =	ssyncadd.s32 $0xFFFFE000  }
0xe6: {  	_ =	swait.ge [sflag:s22], $0x2000  }
0xe7: {  	[sflag:s22] =	ssyncset.done $0x0  }
0xe8: {  	[sflag:s22] =	ssyncadd.s32 $0xFFFFE000  }
0xe9: {  	_ =	swait.ge [sflag:s22], $0x2000  }
0xea: {  	[sflag:s22] =	ssyncset.done $0x0  }
0xeb: {  	s9 =	rddreg [dreg:$0x6];
	[sflag:s22] =	ssyncadd.s32 $0xFFFFE000  }
0xec: {  	[hbm4b:s9+s2] =	stream.linear.scatter [tilespmem:s0], [sflag:$0x6], $0x8000, $0x38;
	[tilespmem:$0x1E400] =	vst v63  }
0xed: {  	_ =	swait.ge [sflag:s26], $0x8000  }
0xee: {  	[sflag:s26] =	ssyncset.done $0x0  }
0xef: {  	s10 =	simm.s32 $0x6200;
	[sflag:s26] =	ssyncadd.s32 $0xFFFF8000  }
0xf0: {  	[tilespmem:s23], [sflag:$0x2] =	stream.indirect.gather [hbm4b:s3+s15], $0x40, s10, s15, $0xb8;
	[tilespmem:$0x1E400] =	vst v63  }
0xf1: {  	s14 =	simm.s32 $0x6280  }
0xf2: {  	[tilespmem:s25], [sflag:$0x2] =	stream.indirect.gather [hbm4b:s3+s15], $0x40, s14, s15, $0xb8;
	[tilespmem:$0x1E400] =	vst v63  }
0xf3: {  	s7 =	simm.s32 $0x6300  }
0xf4: {  	[tilespmem:s28], [sflag:$0x2] =	stream.indirect.gather [hbm4b:s3+s15], $0x40, s7, s15, $0xb8;
	[tilespmem:$0x1E400] =	vst v63  }
0xf5: {  	s8 =	simm.s32 $0x6380  }
0xf6: {  	[tilespmem:s30], [sflag:$0x2] =	stream.indirect.gather [hbm4b:s3+s15], $0x40, s8, s15, $0xb8;
	[tilespmem:$0x1E400] =	vst v63  }
0xf7: {  	_ =	swait.ge [sflag:s31], $0x2000  }
0xf8: {  	[sflag:s31] =	ssyncset.done $0x0  }
0xf9: {  	[sflag:s31] =	ssyncadd.s32 $0xFFFFE000  }
0xfa: {  	_ =	swait.ge [sflag:s31], $0x2000  }
0xfb: {  	[sflag:s31] =	ssyncset.done $0x0  }
0xfc: {  	[sflag:s31] =	ssyncadd.s32 $0xFFFFE000  }
0xfd: {  	_ =	swait.ge [sflag:s31], $0x2000  }
0xfe: {  	[sflag:s31] =	ssyncset.done $0x0  }
0xff: {  	[sflag:s31] =	ssyncadd.s32 $0xFFFFE000  }
0x100: {  	_ =	swait.ge [sflag:s31], $0x2000  }
0x101: {  	[sflag:s31] =	ssyncset.done $0x0  }
0x102: {  	s9 =	rddreg [dreg:$0x7];
	[sflag:s31] =	ssyncadd.s32 $0xFFFFE000  }
0x103: {  	[hbm4b:s9+s2] =	stream.linear.scatter [tilespmem:s16], [sflag:$0x4], $0x8000, $0x38;
	[tilespmem:$0x1E400] =	vst v63  }
0x104: {  	_ =	swait.ge [sflag:s1], $0x2000  }
0x105: {  	[sflag:s1] =	ssyncset.done $0x0  }
0x106: {  	[sflag:s1] =	ssyncadd.s32 $0xFFFFE000  }
0x107: {  	_ =	swait.ge [sflag:s1], $0x2000  }
0x108: {  	[sflag:s1] =	ssyncset.done $0x0  }
0x109: {  	[sflag:s1] =	ssyncadd.s32 $0xFFFFE000  }
0x10a: {  	_ =	swait.ge [sflag:s1], $0x2000  }
0x10b: {  	[sflag:s1] =	ssyncset.done $0x0  }
0x10c: {  	[sflag:s1] =	ssyncadd.s32 $0xFFFFE000  }
0x10d: {  	_ =	swait.ge [sflag:s1], $0x2000  }
0x10e: {  	[sflag:s1] =	ssyncset.done $0x0  }
0x10f: {  	s10 =	rddreg [dreg:$0x8];
	[sflag:s1] =	ssyncadd.s32 $0xFFFFE000  }
0x110: {  	[hbm4b:s10+s2] =	stream.linear.scatter [tilespmem:s23], [sflag:$0x5], $0x8000, $0x38;
	[tilespmem:$0x1E400] =	vst v63  }
0x111: {  	_ =	swait.ge [sflag:s4], $0x8000  }
0x112: {  	[sflag:s4] =	ssyncset.done $0x0  }
0x113: {  	[sflag:s4] =	ssyncadd.s32 $0xFFFF8000  }
0x114: {  	_ =	swait.ge [sflag:s18], $0x8000  }
0x115: {  	[sflag:s18] =	ssyncset.done $0x0  }
0x116: {  	[sflag:s18] =	ssyncadd.s32 $0xFFFF8000  }
0x117: {  	_ =	swait.ge [sflag:s26], $0x8000  }
0x118: {  	s5 =	sadd.s32 $0x1, s5;
	s14 =	rddreg [dreg:$0x9]  }
0x119: {  	p0 =	sne.s32 s5, s14  }
.Ltmp1:
0x11a: {  	_ = 	snop;
	(pc) =	sbr.rel @p0 .LBB2_1-.Ltmp1, $3  }
0x11b: {  	_ =	sdelay $0x1  }
0x11c: {  	[sflag:s26] =	ssyncset.done $0x0  }
0x11d: {  	[sflag:s26] =	ssyncadd.s32 $0xFFFF8000  }
0x11e: {  	_ =	sfence.sel $0x180000  }
0x11f: {  	[bflag:$0x0] =	sbarrier.arrive $0xFFFF  }
0x120: {  	_ =	strace $0x90000047  }
0x121: {  	s0 =	stileid.u32;
	[bflag:$0x2] =	sbarrier.arrive $0xFFFF  }
0x122: {  	p0 =	sne.s32 s0, $0x0;
	s0 =	rddreg [dreg:$0x2]  }
0x123: {  	s0 =	sadd.s32 @!p0 $0x100000, s0  }
0x124: {  	[sflag:s0] =	ssyncadd.tile.s32 @!p0 $0x1;
	_ =	shalt  }
.Lfunc_end2:
_tile_overlayer_lowered:
.L_overlay_start_2:
0x125: {  	(tag) =	ssettag $0x2  }
0x126: {  	s0 =	rddreg [dreg:$0x0];
	s2 =	stileid.u32  }
0x127: {  	s1 =	rddreg [dreg:$0x1];
	p0 =	sne.s32 s2, $0x0  }
0x128: {  	s3 =	rddreg [dreg:$0x2];
	[bflag:$0x3] =	sbarrier.arrive $0xFFFF;
	s2 =	simm.s32 @!p0 $0x1C07  }
0x129: {  	[timem:s3], [sflag:s2] =	dma.local @!p0 [hbm:s0], s1  }
0x12a: {  	s0 =	simm.s32 @!p0 $0x7  }
0x12b: {  	_ =	swait.ge @!p0 [sflag:s0], s1  }
0x12c: {  	s1 =	ssub.s32 @!p0 $0x0, s1;
	[sflag:s0] =	ssyncset.done @!p0 $0x0  }
0x12d: {  	[sflag:s0] =	ssyncadd.s32 @!p0 s1  }
0x12e: {  	[bflag:$0x3] =	sbarrier.arrive $0xFFFF  }
0x12f: {  	_ =	shalt  }

// kernel: sparse-core-data-format-call.cloned.1.call-start
scs
called_computation_lowered:
.L_overlay_start_0:
0x0: {  	s2 =	sld [smem:$0x3FD9]  }
0x1: {  	s3 =	sld [smem:$0x3FFE];
	_ =	sdelay $0x1  }
0x2: {  	s1 =	srdreg.scid  }
0x3: {  	s0 =	sand.u32 $0x1, s1  }
0x4: {  	s18 =	sshll.u32 s0, $0xA;
	s2 =	sadd.s32 s3, s2  }
0x5: {  	s2 =	sadd.s32 s2, s18  }
0x6: {  	[smem:$0x3FC6] =	sst s2  }
0x7: {  	_ = 	snop  }
0x8: {  	s2 =	sld [smem:$0x3FD0];
	(tm) =	ssettm $0x1  }
0x9: {  	s19 =	sld [smem:$0x3FFB];
	_ =	sdelay $0x3  }
0xa: {  	_ =	strace s19  }
0xb: {  	s3 =	sld [smem:$0x3FFC];
	_ =	sdelay $0x3  }
0xc: {  	_ =	strace s3  }
0xd: {  	s3 =	sld [smem:$0x3FFD];
	_ =	sdelay $0x3  }
0xe: {  	_ =	strace s3  }
0xf: {  	_ =	strace $0x8FFFFFFF  }
0x10: {  	s20 =	sld [smem:$0x3FDB];
	_ =	sdelay $0x1  }
0x11: {  	s4 =	simm.s32 $_scs_section_size  }
0x12: {  	s5 =	simm.s32 $_size__tile_overlayer_lowered;
	s6 =	simm.s32 $_tile_overlayer_lowered  }
0x13: {  	s23 =	simm.s32 $0x1BFF;
	s22 =	sshll.u32 s6, $0x1;
	s3 =	sadd.s32 s4, s20  }
0x14: {  	s7 =	simm.s32 $0x0;
	s21 =	sshll.u32 s5, $0x1;
	s5 =	sadd.s32 s22, s3  }
0x15: {  	[timem:s7], [sflag:s23] =	dma.local [hbm:s5], s21  }
0x16: {  	_ =	swait.ge [sflag:s23], s21  }
0x17: {  	s4 =	ssub.s32 $0x0, s21;
	[sflag:s23] =	ssyncset.done $0x0  }
0x18: {  	[sflag:s23] =	ssyncadd.s32 s4;
	_ =	sdelay $0x1  }
0x19: {  	s24 =	simm.s32 $0x1B8B  }
0x1a: {  	_ =	swait.ge [sflag:s24], $0x1  }
0x1b: {  	[sflag:s24] =	ssyncset.done $0x0  }
0x1c: {  	s26 =	simm.s32 $0x1B8E;
	s25 =	sld [smem:$0x3FFE];
	[sflag:s24] =	ssyncadd.s32 $0xFFFFFFFF  }
0x1d: {  	s27 =	simm.s32 $execute0_lowered;
	[smem:$0x3FD2] =	sst s26  }
0x1e: {  	s5 =	sshll.u32 s27, $0x1;
	_ =	strace $0x80000049;
	[dreg:$0x1] =	wrdreg $0xFFFFFFFF  }
0x1f: {  	s28 =	simm.s32 $_size_execute0_lowered;
	s3 =	sadd.s32 s3, s5;
	[dreg:$0x0] =	wrdreg $0x0  }
0x20: {  	s5 =	sshll.u32 s28, $0x1;
	[dreg:$0x2] =	wrdreg s3  }
0x21: {  	[dreg:$0x3] =	wrdreg s5  }
0x22: {  	[dreg:$0x4] =	wrdreg $0xC0  }
0x23: {  	_ =	task [dreg:s7], $0x5FFFF  }
0x24: {  	[dreg:$0x1] =	wrdreg $0xFFFFFFFF  }
0x25: {  	[dreg:$0x0] =	wrdreg $0x60  }
0x26: {  	[dreg:$0x2] =	wrdreg s25  }
0x27: {  	[dreg:$0x3] =	wrdreg s2  }
0x28: {  	[dreg:$0x4] =	wrdreg $0x9  }
0x29: {  	_ =	task.clear_ibuf [dreg:s7], $0x5FFFF;
	_ =	strace $0x90000049  }
0x2a: {  	s29 =	simm.s32 $0x9;
	_ =	strace $0x8000004B  }
0x2b: {  	_ =	swait.ge [sflag:s29], $0x1  }
0x2c: {  	[sflag:s29] =	ssyncadd.s32 $0xFFFFFFFF  }
0x2d: {  	_ =	strace $0x9000004B  }
0x2e: {  	_ =	sfence  }
0x2f: {  	s30 =	sld [smem:$0x0];
	_ =	sdelay $0x2  }
0x30: {  	s31 =	sshll.u32 s1, $0xD;
	s1 =	sshrl.u32 s1, $0x2  }
0x31: {  	s3 =	sand.u32 $0x4000, s31;
	s1 =	sadd.s32 s1, s30  }
0x32: {  	s0 =	sor.u32 s3, s0;
	s1 =	sshll.u32 s1, $0x11  }
0x33: {  	s0 =	sor.u32 s1, s0  }
0x34: {  	s0 =	sadd.s32 $0x8F2B, s0  }
0x35: {  	[sflag:s0] =	ssyncadd.remote.s32 $0x1  }
0x36: {  	_ =	sfence.sel $0xFFFF  }
0x37: {  	[dreg:$0x0] =	wrdreg $0xFFFFFFFF;
	(pc) =	sbr.abs _section_cstart, $3  }
0x38: {  	[dreg:$0x1] =	wrdreg $0xFFFFFFFF  }
0x39: {  	_ =	task.clear_ibuf [dreg:s7], $0x2FFFF;
	_ =	strace $0x9FFFFFFF  }
0x3a: {  	(tm) =	ssettm $0x7FFFFFFF  }
0x3b: {  	_ =	shalt  }
tec
execute0_lowered:
.L_overlay_start_1:
0x0: {  	(tag) =	ssettag $0x1  }
0x1: {  	s0 =	srdreg.scid  }
0x2: {  	s1 =	sshll.u32 s0, $0x4  }
0x3: {  	s0 =	stileid.u32;
	s1 =	sand.u32 $0x10, s1  }
0x4: {  	s1 =	sor.u32 s0, s1  }
0x5: {  	s6 =	rddreg [dreg:$0x0];
	s4 =	simm.s32 $0x1;
	s2 =	sshll.u32 s1, $0x7  }
0x6: {  	s7 =	simm.s32 $0x2;
	s12 =	simm.s32 $0x0;
	s1 =	ssub.s32 $0x1000, s2  }
0x7: {  	s8 =	simm.s32 $0x8000;
	s13 =	simm.s32 $0x0;
	s3 =	sand.u32 $0xF80, s1  }
0x8: {  	s9 =	simm.s32 $0x0;
	s5 =	sshrl.u32 s1, $0xC;
	p0 =	sne.s32 s3, $0x0  }
.Ltmp0:
0x9: {  	s1 =	rddreg [dreg:$0x2];
	s4 =	simm.s32 @!p0 $0x0;
	(pc) =	sbr.rel .LBB1_1-.Ltmp0, $4  }
0xa: {  	s11 =	simm.s32 $0x0;
	s3 =	rddreg [dreg:$0x1];
	s5 =	sadd.s32 s4, s5  }
0xb: {  	_ =	strace $0x8000004A;
	s4 =	simm.s32 $0x1;
	s5 =	smul.u32 $0xC8, s5  }
0xc: {  	s6 =	sadd.s32 $0xA00, s6;
	s10 =	smov.u32 s2;
	[sflag:s4] =	ssyncpa.u1 $0x0  }
0xd: {  	p0 =	por $0x0, $0x0;
	[sflag:s7] =	ssyncpa.u1 $0x0;
	s7 =	sor.u32 $0x1, s5  }
.LBB1_4:
0xe: {  	s16 =	sshll.u32 s13, $0x3;
	s17 =	sand.u32 $0x78, s13  }
0xf: {  	s30 =	sand.u32 $0x7E00, s13;
	s12 =	sshll.u32 s12, $0xF;
	s16 =	sand.u32 $0xC00, s16  }
0x10: {  	[tilespmem:s15+$0x810 ss:$0x81] =	vst.msk $0xffff, v2;
	s31 =	sand.u32 $0x7, s13;
	s16 =	sor.u32 s17, s16;
	s17 =	sadd.s32 s3, s30  }
0x11: {  	[tilespmem:s15+$0x1020 ss:$0x81] =	vst.msk $0xffff, v0;
	s13 =	sshll.u32 s31, $0x12;
	s12 =	sadd.s32 s12, s17;
	s16 =	sshrl.u32 s16, $0x3  }
0x12: {  	[tilespmem:s15+$0x0 ss:$0x81] =	vst.msk $0xffff, v1;
	s13 =	sor.u32 $0x400, s13;
	s12 =	sadd.s32 s16, s12  }
0x13: {  	[hbm4b:s12+s13] =	stream.strided.scatter [tilespmem:s14], [sflag:$0x2], $0x2000, s8, s13, $0x20;
	[tilespmem:$0x8080] =	vst v63  }
.LBB1_5:
0x14: {  	s14 =	sadd.s32 $0x1, s9  }
0x15: {  	s12 =	sadd.s32 $0x1000, s10;
	s16 =	smov.u32 s10;
	p2 =	sgt.s32 s14, $0xC7  }
0x16: {  	s16 =	smov.u32 @p2 s12  }
0x17: {  	s14 =	simm.s32 @p2 $0x0;
	p2 =	sgt.s32 s16, $0xFFF  }
0x18: {  	s16 =	smov.u32 @p2 s2;
	p2 =	sne.s32 s11, s7  }
.Ltmp1:
0x19: {  	p1 =	slt.u32 s11, $0x2;
	(pc) =	sbr.rel @!p2 .LBB1_6-.Ltmp1, $4  }
0x1a: {  	s15 =	simm.s32 @!p1 $0x2  }
0x1b: {  	s13 =	smov.u32 s10;
	p0 =	por !p0, !p0;
	_ =	swait.ge @!p1 [sflag:s15], $0x2000  }
0x1c: {  	s12 =	smov.u32 s9;
	[sflag:s15] =	ssyncset.done @!p1 $0x0;
	s9 =	smov.u32 s14  }
0x1d: {  	s11 =	sadd.s32 $0x1, s11;
	[sflag:s15] =	ssyncadd.s32 @!p1 $0xFFFFE000;
	s10 =	smov.u32 s16  }
.LBB1_1:
0x1e: {  	p1 =	sge.u32 s11, s5  }
0x1f: {  	s14 =	sand.u32 @!p1 $0x1FFFFFF, s9  }
0x20: {  	s15 =	smulhi.u32 @!p1 $0x147AE15, s14;
	_ =	sdelay $0x1  }
0x21: {  	s15 =	smul.u32 @!p1 $0xC8, s15  }
0x22: {  	s16 =	sxor.u32 @!p1 $0xFFFFFFFF, s11;
	s17 =	smul.u32 @!p1 $0xC80, s10  }
0x23: {  	s31 =	sadd.s32 $0xFFFFFFFF, s11;
	s16 =	sshll.u32 @!p1 s16, $0xD;
	s14 =	ssub.s32 @!p1 s14, s15  }
0x24: {  	s15 =	sand.u32 @!p1 $0x2000, s16;
	s16 =	sadd.s32 @!p1 s6, s17;
	s14 =	sshll.u32 @!p1 s14, $0x4  }
0x25: {  	s17 =	simm.s32 @!p1 $0x6400;
	s14 =	sadd.s32 @!p1 s14, s16;
	s16 =	simm.s32 @!p1 $0x40  }
0x26: {  	[tilespmem:s15], [sflag:$0x1] =	stream.strided.gather @!p1 [hbm4b:s14+s16], $0x2000, s17, s16, $0x38;
	[tilespmem:$0x8080] =	vst v63  }
0x27: {  	p1 =	sge.u32 s31, s5  }
.Ltmp2:
0x28: {  	_ = 	snop;
	(pc) =	sbr.rel @p1 .LBB1_5-.Ltmp2, $1  }
0x29: {  	_ =	sdelay $0x3  }
0x2a: {  	s14 =	simm.s32 $0x1  }
0x2b: {  	_ =	swait.ge [sflag:s4], $0x2000;
	s14 =	simm.s32 @!p0 $0x0  }
0x2c: {  	[sflag:s4] =	ssyncset.done $0x0;
	s15 =	sshll.u32 s14, $0xD  }
0x2d: {  	[sflag:s4] =	ssyncadd.s32 $0xFFFFE000;
	s18 =	sor.u32 $0x20, s15  }
0x2e: {  	s14 =	smul.u32 $0x8100, s14;
	v3 =	vld [tilespmem:s18+$0x10]  }
0x2f: {  	s30 =	sand.u32 $0x1, s11;
	v2 =	vld [tilespmem:s18+$0xFFFFFFF0]  }
0x30: {  	s15 =	smul.u32 $0x8100, s30;
	s14 =	sshrl.u32 s14, $0x2;
	v0 =	vld [tilespmem:s18+$0x0]  }
0x31: {  	v1 =	vld [tilespmem:s18+$0xFFFFFFE0];
	s16 =	sor.u32 $0x4000, s14  }
0x32: {  	s31 =	sshrl.u32 s15, $0x2;
	s15 =	sadd.s32 $0x0, s16  }
0x33: {  	s17 =	simm.s32 $0x4;
	s18 =	sadd.s32 $0x40, s18;
	s14 =	sor.u32 $0x4000, s31;
	[tilespmem:s15+$0x1830 ss:$0x81] =	vst.msk $0xffff, v3  }
.LBB1_3:
0x34: {  	v3 =	vld [tilespmem:s18+$0x10];
	p1 =	sne.s32 s17, $0x1FC;
	[tilespmem:s15+$0x810 ss:$0x81] =	vst.msk $0xffff, v2;
	s19 =	smov.u32 s17;
	s17 =	sadd.s32 $0x4, s17  }
.Ltmp3:
0x35: {  	v2 =	vld [tilespmem:s18+$0xFFFFFFF0];
	[tilespmem:s15+$0x1020 ss:$0x81] =	vst.msk $0xffff, v0;
	(pc) =	sbr.rel @p1 .LBB1_3-.Ltmp3, $4  }
0x36: {  	v0 =	vld [tilespmem:s18+$0x0];
	[tilespmem:s15+$0x0 ss:$0x81] =	vst.msk $0xffff, v1  }
0x37: {  	s15 =	sshra.s32 s19, $0x2;
	v1 =	vld [tilespmem:s18+$0xFFFFFFE0]  }
0x38: {  	s15 =	sadd.s32 s15, s16  }
0x39: {  	s18 =	sadd.s32 $0x40, s18;
	[tilespmem:s15+$0x1830 ss:$0x81] =	vst.msk $0xffff, v3  }
.Ltmp4:
0x3a: {  	_ = 	snop;
	(pc) =	sbr.rel .LBB1_4-.Ltmp4, $1  }
0x3b: {  	_ =	sdelay $0x3  }
.LBB1_6:
0x3c: {  	_ =	sfence.sel $0x180000  }
0x3d: {  	s2 =	simm.s32 $0x1;
	[bflag:$0x0] =	sbarrier.arrive $0xFFFF  }
0x3e: {  	s31 =	simm.s32 $0x2;
	[sflag:s2] =	ssyncpa.u1 $0x1  }
0x3f: {  	[sflag:s31] =	ssyncpa.u1 $0x1  }
0x40: {  	p0 =	sne.s32 s0, $0x0;
	_ =	strace $0x9000004A  }
0x41: {  	s0 =	sadd.s32 @!p0 $0x100000, s1;
	[bflag:$0x2] =	sbarrier.arrive $0xFFFF  }
0x42: {  	[sflag:s0] =	ssyncadd.tile.s32 @!p0 $0x1;
	_ =	shalt  }
.Lfunc_end1:
_tile_overlayer_lowered:
.L_overlay_start_2:
0x43: {  	(tag) =	ssettag $0x2  }
0x44: {  	s0 =	rddreg [dreg:$0x0];
	s2 =	stileid.u32  }
0x45: {  	s1 =	rddreg [dreg:$0x1];
	p0 =	sne.s32 s2, $0x0  }
0x46: {  	s3 =	rddreg [dreg:$0x2];
	[bflag:$0x3] =	sbarrier.arrive $0xFFFF;
	s2 =	simm.s32 @!p0 $0x1C01  }
0x47: {  	[timem:s3], [sflag:s2] =	dma.local @!p0 [hbm:s0], s1  }
0x48: {  	s0 =	simm.s32 @!p0 $0x1  }
0x49: {  	_ =	swait.ge @!p0 [sflag:s0], s1  }
0x4a: {  	s1 =	ssub.s32 @!p0 $0x0, s1;
	[sflag:s0] =	ssyncset.done @!p0 $0x0  }
0x4b: {  	[sflag:s0] =	ssyncadd.s32 @!p0 s1  }
0x4c: {  	[bflag:$0x3] =	sbarrier.arrive $0xFFFF  }
0x4d: {  	_ =	shalt  }

</sc_bundles>
